<compile_context>
chip_gen: v7x
topology: tpu7x:2x2x1
jax: 0.10.2.dev20260603
libtpu: 0.0.44.dev20260713+nightly
codegen_flags: <defaults>
</compile_context>

<pallas_src>
import functools

import jax
import jax.numpy as jnp
from jax import lax
from jax.experimental import pallas as pl
from jax.experimental.pallas import tpu as pltpu
from jax.experimental.pallas import tpu_sc as plsc

N_NODES = 10000
N_PAD = 10240
D = 128
CHUNK = 128
N_ROWS = 2500
NC, NS = 2, 16
ROWS_DEG = 160
W_CH = N_ROWS // (NC * NS)
SLICE = N_PAD // NS


def _mesh():
    return plsc.VectorSubcoreMesh(core_axis_name="c", subcore_axis_name="s")



def _deg_body(idx_all, deg2, idx_v, ones_v, zrow_v, deg_s, dsem):
    c = lax.axis_index("c")
    s = lax.axis_index("s")
    for i in range(CHUNK // 16):
        ones_v[pl.ds(i * 16, 16)] = jnp.full((16,), 1.0, jnp.float32)
    for i in range(SLICE // 16):
        zrow_v[pl.ds(i * 16, 16)] = jnp.zeros((16,), jnp.float32)
    pltpu.sync_copy(zrow_v, deg_s.at[pl.ds(s * SLICE, SLICE)])

    @pl.when(s < NS - 1)
    def _():
        pltpu.sync_copy(idx_all.at[c, pl.ds(s * ROWS_DEG, ROWS_DEG)], idx_v)

    @pl.when(s == NS - 1)
    def _():
        pltpu.sync_copy(idx_all.at[c, pl.ds((NS - 1) * ROWS_DEG,
                                            N_ROWS - (NS - 1) * ROWS_DEG)],
                        idx_v.at[pl.ds(0, N_ROWS - (NS - 1) * ROWS_DEG)])

    plsc.subcore_barrier()

    fire = 10
    ngroups = jnp.where(s == NS - 1,
                        (N_ROWS - (NS - 1) * ROWS_DEG) // fire,
                        ROWS_DEG // fire)

    def body(g, carry):
        for t in range(fire):
            pltpu.async_copy(ones_v, deg_s.at[idx_v.at[g * fire + t]], dsem,
                             add=True)
        for t in range(fire):
            pltpu.make_async_copy(ones_v, deg_s.at[pl.ds(0, CHUNK)],
                                  dsem).wait()
        return carry

    lax.fori_loop(0, ngroups, body, 0)
    plsc.subcore_barrier()
    pltpu.sync_copy(deg_s.at[pl.ds(s * SLICE, SLICE)],
                    deg2.at[c, pl.ds(s * SLICE, SLICE)])


_deg_kernel = functools.partial(
    pl.kernel,
    out_type=jax.ShapeDtypeStruct((NC, N_PAD), jnp.float32),
    mesh=_mesh(),
    scratch_types=[
        pltpu.VMEM((ROWS_DEG, CHUNK), jnp.int32),
        pltpu.VMEM((CHUNK,), jnp.float32),
        pltpu.VMEM((SLICE,), jnp.float32),
        pltpu.VMEM_SHARED((N_PAD,), jnp.float32),
        pltpu.SemaphoreType.DMA,
    ],
)(_deg_body)



NBUF = 2


EXTRA = N_ROWS - NC * NS * W_CH


def _agg_body(x_hbm, idx_all, agg2, agg_s,
              buf0, buf1, sib0, sib1, dib0, dib1, ga, gb, ia, ib, da, db):
    bufs, sidxb, didxb = (buf0, buf1), (sib0, sib1), (dib0, dib1)
    gsems, isems, dsems = (ga, gb), (ia, ib), (da, db)
    c = lax.axis_index("c")
    s = lax.axis_index("s")
    w = c * NS + s
    start = w * W_CH + jnp.minimum(w, EXTRA)
    nch = W_CH + (w < EXTRA).astype(jnp.int32)

    def zrow(r, carry):
        for i in range(D // 16):
            buf0[r, pl.ds(i * 16, 16)] = jnp.zeros((16,), jnp.float32)
        return carry

    lax.fori_loop(0, CHUNK, zrow, 0)
    for t in range(SLICE // CHUNK):
        pltpu.async_copy(buf0, agg_s.at[pl.ds(s * SLICE + t * CHUNK, CHUNK)],
                         ga)
    for t in range(SLICE // CHUNK):
        pltpu.make_async_copy(buf0, agg_s.at[pl.ds(0, CHUNK)], ga).wait()
    plsc.subcore_barrier()

    def wait_gather(b):
        pltpu.make_async_copy(x_hbm.at[pl.ds(0, CHUNK)], bufs[b],
                              gsems[b]).wait()

    for b in range(NBUF):
        pltpu.async_copy(idx_all.at[0, start + b], sidxb[b], isems[b])
        pltpu.async_copy(idx_all.at[1, start + b], didxb[b], dsems[b])
    for b in range(NBUF):
        pltpu.make_async_copy(idx_all.at[0, 0], sidxb[b], isems[b]).wait()
        pltpu.async_copy(x_hbm.at[sidxb[b]], bufs[b], gsems[b])

    def step(k, carry):
        for b in range(NBUF):
            j = NBUF * k + b
            wait_gather(b)

            @pl.when(j + NBUF < nch)
            def _():
                pltpu.async_copy(idx_all.at[0, start + j + NBUF], sidxb[b],
                                 isems[b])

            pltpu.make_async_copy(idx_all.at[1, 0], didxb[b],
                                  dsems[b]).wait()
            pltpu.sync_copy(bufs[b], agg_s.at[didxb[b]], add=True)

            @pl.when(j + NBUF < nch)
            def _():
                pltpu.async_copy(idx_all.at[1, start + j + NBUF], didxb[b],
                                 dsems[b])
                pltpu.make_async_copy(idx_all.at[0, 0], sidxb[b],
                                      isems[b]).wait()
                pltpu.async_copy(x_hbm.at[sidxb[b]], bufs[b], gsems[b])
        return carry

    lax.fori_loop(0, W_CH // NBUF, step, 0)

    @pl.when(nch > W_CH)
    def _():
        wait_gather(0)
        pltpu.make_async_copy(idx_all.at[1, 0], didxb[0], dsems[0]).wait()
        pltpu.sync_copy(bufs[0], agg_s.at[didxb[0]], add=True)

    plsc.subcore_barrier()
    pltpu.sync_copy(agg_s.at[pl.ds(s * SLICE, SLICE)],
                    agg2.at[c, pl.ds(s * SLICE, SLICE)])


_agg_kernel = functools.partial(
    pl.kernel,
    out_type=jax.ShapeDtypeStruct((NC, N_PAD, D), jnp.float32),
    mesh=_mesh(),
    scratch_types=(
        [pltpu.VMEM_SHARED((N_PAD, D), jnp.float32)]
        + [pltpu.VMEM((CHUNK, D), jnp.float32)] * NBUF
        + [pltpu.VMEM((CHUNK,), jnp.int32)] * (2 * NBUF)
        + [pltpu.SemaphoreType.DMA] * (3 * NBUF)
    ),
)(_agg_body)



def _norm_body(h_ref, deg_ref, x_ref):
    deg = deg_ref[0, :, 0]
    norm = lax.rsqrt(jnp.maximum(deg, 1.0))
    x_ref[...] = h_ref[...] * norm[:, None]


def _norm_x(h, deg3):
    return pl.pallas_call(
        _norm_body,
        grid=(N_NODES // HEAD_R,),
        in_specs=[
            pl.BlockSpec((HEAD_R, D), lambda i: (i, 0)),
            pl.BlockSpec((1, HEAD_R, 1), lambda i: (0, i, 0)),
        ],
        out_specs=pl.BlockSpec((HEAD_R, D), lambda i: (i, 0)),
        out_shape=jax.ShapeDtypeStruct((N_NODES, D), jnp.float32),
    )(h, deg3)



def _head_body(agg_ref, deg_ref, wc, bc, wl, bl, wo, bo, out_ref):
    a = agg_ref[0] + agg_ref[1]
    deg = deg_ref[0, :, 0]
    a = a * lax.rsqrt(jnp.maximum(deg, 1.0))[:, None]
    t = jnp.dot(a, wc[...], preferred_element_type=jnp.float32) + bc[...]
    t = jnp.maximum(t, 0.0)
    t = jnp.dot(t, wl[...], preferred_element_type=jnp.float32) + bl[...]
    t = jnp.maximum(t, 0.0)
    out_ref[...] = (jnp.dot(t, wo[...], preferred_element_type=jnp.float32)
                    + bo[...])


HEAD_R = 2000


def _head(agg2, deg3, wc, bc, wl, bl, wo, bo):
    full = pl.BlockSpec((1, D), lambda i: (0, 0))
    wspec = pl.BlockSpec((D, D), lambda i: (0, 0))
    return pl.pallas_call(
        _head_body,
        grid=(N_NODES // HEAD_R,),
        in_specs=[
            pl.BlockSpec((NC, HEAD_R, D), lambda i: (0, i, 0)),
            pl.BlockSpec((1, HEAD_R, 1), lambda i: (1, i, 0)),
            wspec, full, wspec, full, wspec, full,
        ],
        out_specs=pl.BlockSpec((HEAD_R, D), lambda i: (i, 0)),
        out_shape=jax.ShapeDtypeStruct((N_NODES, D), jnp.float32),
    )(agg2, deg3, wc, bc, wl, bl, wo, bo)


def kernel(h, edge_index, W_conv, b_conv, W_lin, b_lin, W_last, b_last):
    n, d = h.shape
    idx_all = edge_index.reshape(2, N_ROWS, CHUNK)

    deg2 = _deg_kernel(idx_all)
    deg3 = deg2.reshape(NC, N_PAD, 1)
    x_pad = _norm_x(h, deg3)
    agg2 = _agg_kernel(x_pad, idx_all)
    return _head(agg2, deg3, W_conv, b_conv.reshape(1, D),
                 W_lin, b_lin.reshape(1, D), W_last, b_last.reshape(1, D))

# --- scband reference (transcript-rebuilt; emitter-appended) ---
"""Pipeline reference for scband-net-first-graph-conv-then-linear-89369679495266 (READ-ONLY COPY).

The authoritative reference and input builder live on the scoring server;
editing this copy changes nothing except your own understanding.
"""

import jax, jax.numpy as jnp
import numpy as np

N = 10000
E = 320000
D_IN = 128
D_CONV = 128
D_LIN = 128
D_OUT = 128


def setup_inputs(seed: int = 0) -> dict:
    key = jax.random.key(seed)
    ks = jax.random.split(key, 8)
    h = jax.random.normal(ks[0], (N, D_IN), dtype=jnp.float32)
    edge_index = jax.random.randint(ks[1], (2, E), 0, N, dtype=jnp.int32)
    W_conv = jax.random.normal(ks[2], (D_IN, D_CONV), dtype=jnp.float32) / np.sqrt(D_IN)
    b_conv = jnp.zeros((D_CONV,), dtype=jnp.float32)
    W_lin = jax.random.normal(ks[3], (D_CONV, D_LIN), dtype=jnp.float32) / np.sqrt(D_CONV)
    b_lin = jnp.zeros((D_LIN,), dtype=jnp.float32)
    W_last = jax.random.normal(ks[4], (D_LIN, D_OUT), dtype=jnp.float32) / np.sqrt(D_LIN)
    b_last = jnp.zeros((D_OUT,), dtype=jnp.float32)
    return {"h": h, "edge_index": edge_index, "W_conv": W_conv, "b_conv": b_conv,
            "W_lin": W_lin, "b_lin": b_lin, "W_last": W_last, "b_last": b_last}


def _graph_conv(h, src, dst, W, b):
    # DGL-style GraphConv with symmetric ('both') normalization
    n = h.shape[0]
    ones = jnp.ones((src.shape[0],), dtype=h.dtype)
    deg_out = jnp.zeros((n,), dtype=h.dtype).at[src].add(ones)
    deg_in = jnp.zeros((n,), dtype=h.dtype).at[dst].add(ones)
    norm_src = jax.lax.rsqrt(jnp.maximum(deg_out, 1.0))
    norm_dst = jax.lax.rsqrt(jnp.maximum(deg_in, 1.0))
    x = h * norm_src[:, None]
    msg = jnp.take(x, src, axis=0)
    agg = jnp.zeros((n, x.shape[1]), dtype=x.dtype).at[dst].add(msg)
    agg = agg * norm_dst[:, None]
    return agg @ W + b


def reference(h, edge_index, W_conv, b_conv, W_lin, b_lin, W_last, b_last):
    src = edge_index[0]
    dst = edge_index[1]
    # hidden_conv_net: one GraphConv layer (in_features -> hidden_conv_sizes[-1]) + ReLU
    x = jax.nn.relu(_graph_conv(h, src, dst, W_conv, b_conv))
    # hidden_linear_net: one Linear layer + ReLU (dropout_p=0.0 -> identity)
    x = jax.nn.relu(x @ W_lin + b_lin)
    # last_linear_layer
    out = x @ W_last + b_last
    return out

if __name__ == "__main__":
    import jax
    _d = setup_inputs()
    print(jax.jit(kernel)(*tuple(_d.values())))

</pallas_src>

<mosaic_0001>
#map = affine_map<(d0, d1) -> (0, 0)>
#map1 = affine_map<(d0, d1) -> (0, 0, 0)>
module attributes {stable_mosaic.version = 14 : i64} {
  func.func @_agg_body(%arg0: i32, %arg1: i32, %arg2: memref<10000x128xf32, #tpu.memory_space<hbm>>, %arg3: memref<2x2500x128xi32, #tpu.memory_space<hbm>>, %arg4: memref<2x10240x128xf32, #tpu.memory_space<hbm>>, %arg5: memref<10240x128xf32, #tpu.memory_space<vmem_shared>>, %arg6: memref<128x128xf32, #tpu.memory_space<vmem>>, %arg7: memref<128x128xf32, #tpu.memory_space<vmem>>, %arg8: memref<128xi32, #tpu.memory_space<vmem>>, %arg9: memref<128xi32, #tpu.memory_space<vmem>>, %arg10: memref<128xi32, #tpu.memory_space<vmem>>, %arg11: memref<128xi32, #tpu.memory_space<vmem>>, %arg12: memref<!tpu.dma_semaphore, #tpu.memory_space<semaphore_mem>>, %arg13: memref<!tpu.dma_semaphore, #tpu.memory_space<semaphore_mem>>, %arg14: memref<!tpu.dma_semaphore, #tpu.memory_space<semaphore_mem>>, %arg15: memref<!tpu.dma_semaphore, #tpu.memory_space<semaphore_mem>>, %arg16: memref<!tpu.dma_semaphore, #tpu.memory_space<semaphore_mem>>, %arg17: memref<!tpu.dma_semaphore, #tpu.memory_space<semaphore_mem>>) attributes {dimension_semantics = [#tpu.dimension_semantics<core_parallel>, #tpu.dimension_semantics<subcore_parallel>], iteration_bounds = array<i64: 2, 16>, scalar_prefetch = 0 : i64, scratch_operands = 13 : i64, tpu.core_type = #tpu.core_type<sc_vector_subcore>, window_params = [{transform_indices = #map}, {transform_indices = #map1}, {transform_indices = #map1}]} {
    %mul3A = arith.constant 16 : i32
    %mul3A_0 = arith.muli %arg0, %mul3A : i32
    %add3A = arith.addi %mul3A_0, %arg1 : i32
    %mul3A_1 = arith.constant 78 : i32
    %mul3A_2 = arith.muli %add3A, %mul3A_1 : i32
    %min3A = arith.constant 4 : i32
    %min3A_3 = arith.minsi %add3A, %min3A : i32
    %add3A_4 = arith.addi %mul3A_2, %min3A_3 : i32
    %lt3A = arith.constant 4 : i32
    %lt3A_5 = arith.cmpi slt, %add3A, %lt3A : i32
    %convert_element_type3A = arith.extui %lt3A_5 : i1 to i32
    %add3A_6 = arith.constant 78 : i32
    %add3A_7 = arith.addi %add3A_6, %convert_element_type3A : i32
    %scan3A = arith.constant 0 : i32
    %scan3A_8 = arith.constant 0 : i32
    %scan3A_9 = arith.constant 128 : i32
    %scan3A_10 = arith.addi %scan3A_8, %scan3A_9 : i32
    %scan3A_11 = arith.constant 1 : i32
    scf.for %scan3A_153 = %scan3A_8 to %scan3A_10 step %scan3A_11  : i32 {
      %broadcast_in_dim3A = arith.constant 0.000000e+00 : f32
      %broadcast_in_dim3A_154 = vector.broadcast %broadcast_in_dim3A : f32 to vector<16xf32>
      %swap3A = arith.index_cast %scan3A_153 : i32 to index
      %swap3A_155 = arith.constant 0 : index
      %swap3A_156 = tpu.vector_load %arg6[%swap3A, %swap3A_155] {strides = array<i32>} : memref<128x128xf32, #tpu.memory_space<vmem>>, vector<1x16xf32>,
      %swap3A_157 = vector.shape_cast %swap3A_156 : vector<1x16xf32> to vector<16xf32>
      %swap3A_158 = vector.shape_cast %broadcast_in_dim3A_154 : vector<16xf32> to vector<1x16xf32>
      tpu.vector_store %arg6[%swap3A, %swap3A_155], %swap3A_158 {strides = array<i32>} : memref<128x128xf32, #tpu.memory_space<vmem>>, vector<1x16xf32>,
      %broadcast_in_dim3A_159 = arith.constant 0.000000e+00 : f32
      %broadcast_in_dim3A_160 = vector.broadcast %broadcast_in_dim3A_159 : f32 to vector<16xf32>
      %swap3A_161 = arith.index_cast %scan3A_153 : i32 to index
      %swap3A_162 = arith.constant 16 : index
      %swap3A_163 = tpu.vector_load %arg6[%swap3A_161, %swap3A_162] {strides = array<i32>} : memref<128x128xf32, #tpu.memory_space<vmem>>, vector<1x16xf32>,
      %swap3A_164 = vector.shape_cast %swap3A_163 : vector<1x16xf32> to vector<16xf32>
      %swap3A_165 = vector.shape_cast %broadcast_in_dim3A_160 : vector<16xf32> to vector<1x16xf32>
      tpu.vector_store %arg6[%swap3A_161, %swap3A_162], %swap3A_165 {strides = array<i32>} : memref<128x128xf32, #tpu.memory_space<vmem>>, vector<1x16xf32>,
      %broadcast_in_dim3A_166 = arith.constant 0.000000e+00 : f32
      %broadcast_in_dim3A_167 = vector.broadcast %broadcast_in_dim3A_166 : f32 to vector<16xf32>
      %swap3A_168 = arith.index_cast %scan3A_153 : i32 to index
      %swap3A_169 = arith.constant 32 : index
      %swap3A_170 = tpu.vector_load %arg6[%swap3A_168, %swap3A_169] {strides = array<i32>} : memref<128x128xf32, #tpu.memory_space<vmem>>, vector<1x16xf32>,
      %swap3A_171 = vector.shape_cast %swap3A_170 : vector<1x16xf32> to vector<16xf32>
      %swap3A_172 = vector.shape_cast %broadcast_in_dim3A_167 : vector<16xf32> to vector<1x16xf32>
      tpu.vector_store %arg6[%swap3A_168, %swap3A_169], %swap3A_172 {strides = array<i32>} : memref<128x128xf32, #tpu.memory_space<vmem>>, vector<1x16xf32>,
      %broadcast_in_dim3A_173 = arith.constant 0.000000e+00 : f32
      %broadcast_in_dim3A_174 = vector.broadcast %broadcast_in_dim3A_173 : f32 to vector<16xf32>
      %swap3A_175 = arith.index_cast %scan3A_153 : i32 to index
      %swap3A_176 = arith.constant 48 : index
      %swap3A_177 = tpu.vector_load %arg6[%swap3A_175, %swap3A_176] {strides = array<i32>} : memref<128x128xf32, #tpu.memory_space<vmem>>, vector<1x16xf32>,
      %swap3A_178 = vector.shape_cast %swap3A_177 : vector<1x16xf32> to vector<16xf32>
      %swap3A_179 = vector.shape_cast %broadcast_in_dim3A_174 : vector<16xf32> to vector<1x16xf32>
      tpu.vector_store %arg6[%swap3A_175, %swap3A_176], %swap3A_179 {strides = array<i32>} : memref<128x128xf32, #tpu.memory_space<vmem>>, vector<1x16xf32>,
      %broadcast_in_dim3A_180 = arith.constant 0.000000e+00 : f32
      %broadcast_in_dim3A_181 = vector.broadcast %broadcast_in_dim3A_180 : f32 to vector<16xf32>
      %swap3A_182 = arith.index_cast %scan3A_153 : i32 to index
      %swap3A_183 = arith.constant 64 : index
      %swap3A_184 = tpu.vector_load %arg6[%swap3A_182, %swap3A_183] {strides = array<i32>} : memref<128x128xf32, #tpu.memory_space<vmem>>, vector<1x16xf32>,
      %swap3A_185 = vector.shape_cast %swap3A_184 : vector<1x16xf32> to vector<16xf32>
      %swap3A_186 = vector.shape_cast %broadcast_in_dim3A_181 : vector<16xf32> to vector<1x16xf32>
      tpu.vector_store %arg6[%swap3A_182, %swap3A_183], %swap3A_186 {strides = array<i32>} : memref<128x128xf32, #tpu.memory_space<vmem>>, vector<1x16xf32>,
      %broadcast_in_dim3A_187 = arith.constant 0.000000e+00 : f32
      %broadcast_in_dim3A_188 = vector.broadcast %broadcast_in_dim3A_187 : f32 to vector<16xf32>
      %swap3A_189 = arith.index_cast %scan3A_153 : i32 to index
      %swap3A_190 = arith.constant 80 : index
      %swap3A_191 = tpu.vector_load %arg6[%swap3A_189, %swap3A_190] {strides = array<i32>} : memref<128x128xf32, #tpu.memory_space<vmem>>, vector<1x16xf32>,
      %swap3A_192 = vector.shape_cast %swap3A_191 : vector<1x16xf32> to vector<16xf32>
      %swap3A_193 = vector.shape_cast %broadcast_in_dim3A_188 : vector<16xf32> to vector<1x16xf32>
      tpu.vector_store %arg6[%swap3A_189, %swap3A_190], %swap3A_193 {strides = array<i32>} : memref<128x128xf32, #tpu.memory_space<vmem>>, vector<1x16xf32>,
      %broadcast_in_dim3A_194 = arith.constant 0.000000e+00 : f32
      %broadcast_in_dim3A_195 = vector.broadcast %broadcast_in_dim3A_194 : f32 to vector<16xf32>
      %swap3A_196 = arith.index_cast %scan3A_153 : i32 to index
      %swap3A_197 = arith.constant 96 : index
      %swap3A_198 = tpu.vector_load %arg6[%swap3A_196, %swap3A_197] {strides = array<i32>} : memref<128x128xf32, #tpu.memory_space<vmem>>, vector<1x16xf32>,
      %swap3A_199 = vector.shape_cast %swap3A_198 : vector<1x16xf32> to vector<16xf32>
      %swap3A_200 = vector.shape_cast %broadcast_in_dim3A_195 : vector<16xf32> to vector<1x16xf32>
      tpu.vector_store %arg6[%swap3A_196, %swap3A_197], %swap3A_200 {strides = array<i32>} : memref<128x128xf32, #tpu.memory_space<vmem>>, vector<1x16xf32>,
      %broadcast_in_dim3A_201 = arith.constant 0.000000e+00 : f32
      %broadcast_in_dim3A_202 = vector.broadcast %broadcast_in_dim3A_201 : f32 to vector<16xf32>
      %swap3A_203 = arith.index_cast %scan3A_153 : i32 to index
      %swap3A_204 = arith.constant 112 : index
      %swap3A_205 = tpu.vector_load %arg6[%swap3A_203, %swap3A_204] {strides = array<i32>} : memref<128x128xf32, #tpu.memory_space<vmem>>, vector<1x16xf32>,
      %swap3A_206 = vector.shape_cast %swap3A_205 : vector<1x16xf32> to vector<16xf32>
      %swap3A_207 = vector.shape_cast %broadcast_in_dim3A_202 : vector<16xf32> to vector<1x16xf32>
      tpu.vector_store %arg6[%swap3A_203, %swap3A_204], %swap3A_207 {strides = array<i32>} : memref<128x128xf32, #tpu.memory_space<vmem>>, vector<1x16xf32>,
    }
    %scan3A_12 = arith.constant 128 : i32
    %mul3A_13 = arith.constant 640 : i32
    %mul3A_14 = arith.muli %arg1, %mul3A_13 : i32
    %add3A_15 = arith.constant 0 : i32
    %add3A_16 = arith.addi %mul3A_14, %add3A_15 : i32
    %dma_start3A = arith.constant 0 : i32
    %dma_start3A_17 = tpu.memref_slice %arg5[%add3A_16, %dma_start3A] : memref<10240x128xf32, #tpu.memory_space<vmem_shared>> -> memref<128x128xf32, #tpu.memory_space<vmem_shared>>
    %dma_start3A_18 = arith.constant 0 : i32
    %dma_start3A_19 = tpu.memref_slice %arg5[%add3A_16, %dma_start3A_18] : memref<10240x128xf32, #tpu.memory_space<vmem_shared>> -> memref<128x128xf32, #tpu.memory_space<vmem_shared>>
    tpu.enqueue_dma source(%arg6 : memref<128x128xf32, #tpu.memory_space<vmem>>) target(%dma_start3A_19 : memref<128x128xf32, #tpu.memory_space<vmem_shared>>) target_semaphore(%arg12 : memref<!tpu.dma_semaphore, #tpu.memory_space<semaphore_mem>>)
    %mul3A_20 = arith.constant 640 : i32
    %mul3A_21 = arith.muli %arg1, %mul3A_20 : i32
    %add3A_22 = arith.constant 128 : i32
    %add3A_23 = arith.addi %mul3A_21, %add3A_22 : i32
    %dma_start3A_24 = arith.constant 0 : i32
    %dma_start3A_25 = tpu.memref_slice %arg5[%add3A_23, %dma_start3A_24] : memref<10240x128xf32, #tpu.memory_space<vmem_shared>> -> memref<128x128xf32, #tpu.memory_space<vmem_shared>>
    %dma_start3A_26 = arith.constant 0 : i32
    %dma_start3A_27 = tpu.memref_slice %arg5[%add3A_23, %dma_start3A_26] : memref<10240x128xf32, #tpu.memory_space<vmem_shared>> -> memref<128x128xf32, #tpu.memory_space<vmem_shared>>
    tpu.enqueue_dma source(%arg6 : memref<128x128xf32, #tpu.memory_space<vmem>>) target(%dma_start3A_27 : memref<128x128xf32, #tpu.memory_space<vmem_shared>>) target_semaphore(%arg12 : memref<!tpu.dma_semaphore, #tpu.memory_space<semaphore_mem>>)
    %mul3A_28 = arith.constant 640 : i32
    %mul3A_29 = arith.muli %arg1, %mul3A_28 : i32
    %add3A_30 = arith.constant 256 : i32
    %add3A_31 = arith.addi %mul3A_29, %add3A_30 : i32
    %dma_start3A_32 = arith.constant 0 : i32
    %dma_start3A_33 = tpu.memref_slice %arg5[%add3A_31, %dma_start3A_32] : memref<10240x128xf32, #tpu.memory_space<vmem_shared>> -> memref<128x128xf32, #tpu.memory_space<vmem_shared>>
    %dma_start3A_34 = arith.constant 0 : i32
    %dma_start3A_35 = tpu.memref_slice %arg5[%add3A_31, %dma_start3A_34] : memref<10240x128xf32, #tpu.memory_space<vmem_shared>> -> memref<128x128xf32, #tpu.memory_space<vmem_shared>>
    tpu.enqueue_dma source(%arg6 : memref<128x128xf32, #tpu.memory_space<vmem>>) target(%dma_start3A_35 : memref<128x128xf32, #tpu.memory_space<vmem_shared>>) target_semaphore(%arg12 : memref<!tpu.dma_semaphore, #tpu.memory_space<semaphore_mem>>)
    %mul3A_36 = arith.constant 640 : i32
    %mul3A_37 = arith.muli %arg1, %mul3A_36 : i32
    %add3A_38 = arith.constant 384 : i32
    %add3A_39 = arith.addi %mul3A_37, %add3A_38 : i32
    %dma_start3A_40 = arith.constant 0 : i32
    %dma_start3A_41 = tpu.memref_slice %arg5[%add3A_39, %dma_start3A_40] : memref<10240x128xf32, #tpu.memory_space<vmem_shared>> -> memref<128x128xf32, #tpu.memory_space<vmem_shared>>
    %dma_start3A_42 = arith.constant 0 : i32
    %dma_start3A_43 = tpu.memref_slice %arg5[%add3A_39, %dma_start3A_42] : memref<10240x128xf32, #tpu.memory_space<vmem_shared>> -> memref<128x128xf32, #tpu.memory_space<vmem_shared>>
    tpu.enqueue_dma source(%arg6 : memref<128x128xf32, #tpu.memory_space<vmem>>) target(%dma_start3A_43 : memref<128x128xf32, #tpu.memory_space<vmem_shared>>) target_semaphore(%arg12 : memref<!tpu.dma_semaphore, #tpu.memory_space<semaphore_mem>>)
    %mul3A_44 = arith.constant 640 : i32
    %mul3A_45 = arith.muli %arg1, %mul3A_44 : i32
    %add3A_46 = arith.constant 512 : i32
    %add3A_47 = arith.addi %mul3A_45, %add3A_46 : i32
    %dma_start3A_48 = arith.constant 0 : i32
    %dma_start3A_49 = tpu.memref_slice %arg5[%add3A_47, %dma_start3A_48] : memref<10240x128xf32, #tpu.memory_space<vmem_shared>> -> memref<128x128xf32, #tpu.memory_space<vmem_shared>>
    %dma_start3A_50 = arith.constant 0 : i32
    %dma_start3A_51 = tpu.memref_slice %arg5[%add3A_47, %dma_start3A_50] : memref<10240x128xf32, #tpu.memory_space<vmem_shared>> -> memref<128x128xf32, #tpu.memory_space<vmem_shared>>
    tpu.enqueue_dma source(%arg6 : memref<128x128xf32, #tpu.memory_space<vmem>>) target(%dma_start3A_51 : memref<128x128xf32, #tpu.memory_space<vmem_shared>>) target_semaphore(%arg12 : memref<!tpu.dma_semaphore, #tpu.memory_space<semaphore_mem>>)
    %dma_wait3A = arith.constant 0 : i32
    %dma_wait3A_52 = arith.constant 0 : i32
    %dma_wait3A_53 = tpu.memref_slice %arg5[%dma_wait3A, %dma_wait3A_52] : memref<10240x128xf32, #tpu.memory_space<vmem_shared>> -> memref<128x128xf32, #tpu.memory_space<vmem_shared>>
    %dma_wait3A_54 = arith.constant 0 : i32
    %dma_wait3A_55 = arith.constant 0 : i32
    %dma_wait3A_56 = tpu.memref_slice %arg5[%dma_wait3A_54, %dma_wait3A_55] : memref<10240x128xf32, #tpu.memory_space<vmem_shared>> -> memref<128x128xf32, #tpu.memory_space<vmem_shared>>
    tpu.wait_dma2 semaphore(%arg12 : memref<!tpu.dma_semaphore, #tpu.memory_space<semaphore_mem>>) src(%arg6 : memref<128x128xf32, #tpu.memory_space<vmem>>) dst(%dma_wait3A_56 : memref<128x128xf32, #tpu.memory_space<vmem_shared>>)
    %dma_wait3A_57 = arith.constant 0 : i32
    %dma_wait3A_58 = arith.constant 0 : i32
    %dma_wait3A_59 = tpu.memref_slice %arg5[%dma_wait3A_57, %dma_wait3A_58] : memref<10240x128xf32, #tpu.memory_space<vmem_shared>> -> memref<128x128xf32, #tpu.memory_space<vmem_shared>>
    %dma_wait3A_60 = arith.constant 0 : i32
    %dma_wait3A_61 = arith.constant 0 : i32
    %dma_wait3A_62 = tpu.memref_slice %arg5[%dma_wait3A_60, %dma_wait3A_61] : memref<10240x128xf32, #tpu.memory_space<vmem_shared>> -> memref<128x128xf32, #tpu.memory_space<vmem_shared>>
    tpu.wait_dma2 semaphore(%arg12 : memref<!tpu.dma_semaphore, #tpu.memory_space<semaphore_mem>>) src(%arg6 : memref<128x128xf32, #tpu.memory_space<vmem>>) dst(%dma_wait3A_62 : memref<128x128xf32, #tpu.memory_space<vmem_shared>>)
    %dma_wait3A_63 = arith.constant 0 : i32
    %dma_wait3A_64 = arith.constant 0 : i32
    %dma_wait3A_65 = tpu.memref_slice %arg5[%dma_wait3A_63, %dma_wait3A_64] : memref<10240x128xf32, #tpu.memory_space<vmem_shared>> -> memref<128x128xf32, #tpu.memory_space<vmem_shared>>
    %dma_wait3A_66 = arith.constant 0 : i32
    %dma_wait3A_67 = arith.constant 0 : i32
    %dma_wait3A_68 = tpu.memref_slice %arg5[%dma_wait3A_66, %dma_wait3A_67] : memref<10240x128xf32, #tpu.memory_space<vmem_shared>> -> memref<128x128xf32, #tpu.memory_space<vmem_shared>>
    tpu.wait_dma2 semaphore(%arg12 : memref<!tpu.dma_semaphore, #tpu.memory_space<semaphore_mem>>) src(%arg6 : memref<128x128xf32, #tpu.memory_space<vmem>>) dst(%dma_wait3A_68 : memref<128x128xf32, #tpu.memory_space<vmem_shared>>)
    %dma_wait3A_69 = arith.constant 0 : i32
    %dma_wait3A_70 = arith.constant 0 : i32
    %dma_wait3A_71 = tpu.memref_slice %arg5[%dma_wait3A_69, %dma_wait3A_70] : memref<10240x128xf32, #tpu.memory_space<vmem_shared>> -> memref<128x128xf32, #tpu.memory_space<vmem_shared>>
    %dma_wait3A_72 = arith.constant 0 : i32
    %dma_wait3A_73 = arith.constant 0 : i32
    %dma_wait3A_74 = tpu.memref_slice %arg5[%dma_wait3A_72, %dma_wait3A_73] : memref<10240x128xf32, #tpu.memory_space<vmem_shared>> -> memref<128x128xf32, #tpu.memory_space<vmem_shared>>
    tpu.wait_dma2 semaphore(%arg12 : memref<!tpu.dma_semaphore, #tpu.memory_space<semaphore_mem>>) src(%arg6 : memref<128x128xf32, #tpu.memory_space<vmem>>) dst(%dma_wait3A_74 : memref<128x128xf32, #tpu.memory_space<vmem_shared>>)
    %dma_wait3A_75 = arith.constant 0 : i32
    %dma_wait3A_76 = arith.constant 0 : i32
    %dma_wait3A_77 = tpu.memref_slice %arg5[%dma_wait3A_75, %dma_wait3A_76] : memref<10240x128xf32, #tpu.memory_space<vmem_shared>> -> memref<128x128xf32, #tpu.memory_space<vmem_shared>>
    %dma_wait3A_78 = arith.constant 0 : i32
    %dma_wait3A_79 = arith.constant 0 : i32
    %dma_wait3A_80 = tpu.memref_slice %arg5[%dma_wait3A_78, %dma_wait3A_79] : memref<10240x128xf32, #tpu.memory_space<vmem_shared>> -> memref<128x128xf32, #tpu.memory_space<vmem_shared>>
    tpu.wait_dma2 semaphore(%arg12 : memref<!tpu.dma_semaphore, #tpu.memory_space<semaphore_mem>>) src(%arg6 : memref<128x128xf32, #tpu.memory_space<vmem>>) dst(%dma_wait3A_80 : memref<128x128xf32, #tpu.memory_space<vmem_shared>>)
    %barrier3A = arith.constant 0 : index
    tpu.barrier barrier_id(%barrier3A)
    %add3A_81 = arith.constant 0 : i32
    %add3A_82 = arith.addi %add3A_4, %add3A_81 : i32
    %dma_start3A_83 = arith.constant 0 : i32
    %dma_start3A_84 = arith.constant 0 : i32
    %dma_start3A_85 = tpu.memref_slice %arg3[%dma_start3A_83, %add3A_82, %dma_start3A_84] : memref<2x2500x128xi32, #tpu.memory_space<hbm>> -> memref<1x1x128xi32, #tpu.memory_space<hbm>>
    %dma_start3A_86 = tpu.memref_squeeze %dma_start3A_85 : memref<1x1x128xi32, #tpu.memory_space<hbm>> -> memref<128xi32, #tpu.memory_space<hbm>>
    %dma_start3A_87 = arith.constant 0 : i32
    %dma_start3A_88 = tpu.memref_slice %arg3[%dma_start3A_83, %add3A_82, %dma_start3A_87] : memref<2x2500x128xi32, #tpu.memory_space<hbm>> -> memref<1x1x128xi32, #tpu.memory_space<hbm>>
    %dma_start3A_89 = tpu.memref_squeeze %dma_start3A_88 : memref<1x1x128xi32, #tpu.memory_space<hbm>> -> memref<128xi32, #tpu.memory_space<hbm>>
    tpu.enqueue_dma source(%dma_start3A_89 : memref<128xi32, #tpu.memory_space<hbm>>) target(%arg8 : memref<128xi32, #tpu.memory_space<vmem>>) target_semaphore(%arg14 : memref<!tpu.dma_semaphore, #tpu.memory_space<semaphore_mem>>)
    %add3A_90 = arith.constant 0 : i32
    %add3A_91 = arith.addi %add3A_4, %add3A_90 : i32
    %dma_start3A_92 = arith.constant 1 : i32
    %dma_start3A_93 = arith.constant 0 : i32
    %dma_start3A_94 = tpu.memref_slice %arg3[%dma_start3A_92, %add3A_91, %dma_start3A_93] : memref<2x2500x128xi32, #tpu.memory_space<hbm>> -> memref<1x1x128xi32, #tpu.memory_space<hbm>>
    %dma_start3A_95 = tpu.memref_squeeze %dma_start3A_94 : memref<1x1x128xi32, #tpu.memory_space<hbm>> -> memref<128xi32, #tpu.memory_space<hbm>>
    %dma_start3A_96 = arith.constant 0 : i32
    %dma_start3A_97 = tpu.memref_slice %arg3[%dma_start3A_92, %add3A_91, %dma_start3A_96] : memref<2x2500x128xi32, #tpu.memory_space<hbm>> -> memref<1x1x128xi32, #tpu.memory_space<hbm>>
    %dma_start3A_98 = tpu.memref_squeeze %dma_start3A_97 : memref<1x1x128xi32, #tpu.memory_space<hbm>> -> memref<128xi32, #tpu.memory_space<hbm>>
    tpu.enqueue_dma source(%dma_start3A_98 : memref<128xi32, #tpu.memory_space<hbm>>) target(%arg10 : memref<128xi32, #tpu.memory_space<vmem>>) target_semaphore(%arg16 : memref<!tpu.dma_semaphore, #tpu.memory_space<semaphore_mem>>)
    %add3A_99 = arith.constant 1 : i32
    %add3A_100 = arith.addi %add3A_4, %add3A_99 : i32
    %dma_start3A_101 = arith.constant 0 : i32
    %dma_start3A_102 = arith.constant 0 : i32
    %dma_start3A_103 = tpu.memref_slice %arg3[%dma_start3A_101, %add3A_100, %dma_start3A_102] : memref<2x2500x128xi32, #tpu.memory_space<hbm>> -> memref<1x1x128xi32, #tpu.memory_space<hbm>>
    %dma_start3A_104 = tpu.memref_squeeze %dma_start3A_103 : memref<1x1x128xi32, #tpu.memory_space<hbm>> -> memref<128xi32, #tpu.memory_space<hbm>>
    %dma_start3A_105 = arith.constant 0 : i32
    %dma_start3A_106 = tpu.memref_slice %arg3[%dma_start3A_101, %add3A_100, %dma_start3A_105] : memref<2x2500x128xi32, #tpu.memory_space<hbm>> -> memref<1x1x128xi32, #tpu.memory_space<hbm>>
    %dma_start3A_107 = tpu.memref_squeeze %dma_start3A_106 : memref<1x1x128xi32, #tpu.memory_space<hbm>> -> memref<128xi32, #tpu.memory_space<hbm>>
    tpu.enqueue_dma source(%dma_start3A_107 : memref<128xi32, #tpu.memory_space<hbm>>) target(%arg9 : memref<128xi32, #tpu.memory_space<vmem>>) target_semaphore(%arg15 : memref<!tpu.dma_semaphore, #tpu.memory_space<semaphore_mem>>)
    %add3A_108 = arith.constant 1 : i32
    %add3A_109 = arith.addi %add3A_4, %add3A_108 : i32
    %dma_start3A_110 = arith.constant 1 : i32
    %dma_start3A_111 = arith.constant 0 : i32
    %dma_start3A_112 = tpu.memref_slice %arg3[%dma_start3A_110, %add3A_109, %dma_start3A_111] : memref<2x2500x128xi32, #tpu.memory_space<hbm>> -> memref<1x1x128xi32, #tpu.memory_space<hbm>>
    %dma_start3A_113 = tpu.memref_squeeze %dma_start3A_112 : memref<1x1x128xi32, #tpu.memory_space<hbm>> -> memref<128xi32, #tpu.memory_space<hbm>>
    %dma_start3A_114 = arith.constant 0 : i32
    %dma_start3A_115 = tpu.memref_slice %arg3[%dma_start3A_110, %add3A_109, %dma_start3A_114] : memref<2x2500x128xi32, #tpu.memory_space<hbm>> -> memref<1x1x128xi32, #tpu.memory_space<hbm>>
    %dma_start3A_116 = tpu.memref_squeeze %dma_start3A_115 : memref<1x1x128xi32, #tpu.memory_space<hbm>> -> memref<128xi32, #tpu.memory_space<hbm>>
    tpu.enqueue_dma source(%dma_start3A_116 : memref<128xi32, #tpu.memory_space<hbm>>) target(%arg11 : memref<128xi32, #tpu.memory_space<vmem>>) target_semaphore(%arg17 : memref<!tpu.dma_semaphore, #tpu.memory_space<semaphore_mem>>)
    %dma_wait3A_117 = arith.constant 0 : i32
    %dma_wait3A_118 = arith.constant 0 : i32
    %dma_wait3A_119 = arith.constant 0 : i32
    %dma_wait3A_120 = tpu.memref_slice %arg3[%dma_wait3A_117, %dma_wait3A_118, %dma_wait3A_119] : memref<2x2500x128xi32, #tpu.memory_space<hbm>> -> memref<1x1x128xi32, #tpu.memory_space<hbm>>
    %dma_wait3A_121 = tpu.memref_squeeze %dma_wait3A_120 : memref<1x1x128xi32, #tpu.memory_space<hbm>> -> memref<128xi32, #tpu.memory_space<hbm>>
    %dma_wait3A_122 = arith.constant 0 : i32
    %dma_wait3A_123 = tpu.memref_slice %arg3[%dma_wait3A_117, %dma_wait3A_118, %dma_wait3A_122] : memref<2x2500x128xi32, #tpu.memory_space<hbm>> -> memref<1x1x128xi32, #tpu.memory_space<hbm>>
    %dma_wait3A_124 = tpu.memref_squeeze %dma_wait3A_123 : memref<1x1x128xi32, #tpu.memory_space<hbm>> -> memref<128xi32, #tpu.memory_space<hbm>>
    tpu.wait_dma2 semaphore(%arg14 : memref<!tpu.dma_semaphore, #tpu.memory_space<semaphore_mem>>) src(%dma_wait3A_124 : memref<128xi32, #tpu.memory_space<hbm>>) dst(%arg8 : memref<128xi32, #tpu.memory_space<vmem>>)
    %dma_start3A_125 = arith.constant 0 : i32
    %dma_start3A_126 = arith.constant 0 : i32
    %dma_start3A_127 = tpu.memref_slice %arg2[%dma_start3A_125, %dma_start3A_126] : memref<10000x128xf32, #tpu.memory_space<hbm>> -> memref<10000x128xf32, #tpu.memory_space<hbm>>
    tpu.enqueue_indirect_dma source(%dma_start3A_127 : memref<10000x128xf32, #tpu.memory_space<hbm>>) target(%arg6 : memref<128x128xf32, #tpu.memory_space<vmem>>) offsets(%arg8 : memref<128xi32, #tpu.memory_space<vmem>>) semaphore(%arg12 : memref<!tpu.dma_semaphore, #tpu.memory_space<semaphore_mem>>)
    %dma_wait3A_128 = arith.constant 0 : i32
    %dma_wait3A_129 = arith.constant 0 : i32
    %dma_wait3A_130 = arith.constant 0 : i32
    %dma_wait3A_131 = tpu.memref_slice %arg3[%dma_wait3A_128, %dma_wait3A_129, %dma_wait3A_130] : memref<2x2500x128xi32, #tpu.memory_space<hbm>> -> memref<1x1x128xi32, #tpu.memory_space<hbm>>
    %dma_wait3A_132 = tpu.memref_squeeze %dma_wait3A_131 : memref<1x1x128xi32, #tpu.memory_space<hbm>> -> memref<128xi32, #tpu.memory_space<hbm>>
    %dma_wait3A_133 = arith.constant 0 : i32
    %dma_wait3A_134 = tpu.memref_slice %arg3[%dma_wait3A_128, %dma_wait3A_129, %dma_wait3A_133] : memref<2x2500x128xi32, #tpu.memory_space<hbm>> -> memref<1x1x128xi32, #tpu.memory_space<hbm>>
    %dma_wait3A_135 = tpu.memref_squeeze %dma_wait3A_134 : memref<1x1x128xi32, #tpu.memory_space<hbm>> -> memref<128xi32, #tpu.memory_space<hbm>>
    tpu.wait_dma2 semaphore(%arg15 : memref<!tpu.dma_semaphore, #tpu.memory_space<semaphore_mem>>) src(%dma_wait3A_135 : memref<128xi32, #tpu.memory_space<hbm>>) dst(%arg9 : memref<128xi32, #tpu.memory_space<vmem>>)
    %dma_start3A_136 = arith.constant 0 : i32
    %dma_start3A_137 = arith.constant 0 : i32
    %dma_start3A_138 = tpu.memref_slice %arg2[%dma_start3A_136, %dma_start3A_137] : memref<10000x128xf32, #tpu.memory_space<hbm>> -> memref<10000x128xf32, #tpu.memory_space<hbm>>
    tpu.enqueue_indirect_dma source(%dma_start3A_138 : memref<10000x128xf32, #tpu.memory_space<hbm>>) target(%arg7 : memref<128x128xf32, #tpu.memory_space<vmem>>) offsets(%arg9 : memref<128xi32, #tpu.memory_space<vmem>>) semaphore(%arg13 : memref<!tpu.dma_semaphore, #tpu.memory_space<semaphore_mem>>)
    %scan3A_139 = arith.constant 0 : i32
    %scan3A_140 = arith.constant 0 : i32
    %scan3A_141 = arith.constant 39 : i32
    %scan3A_142 = arith.addi %scan3A_140, %scan3A_141 : i32
    %scan3A_143 = arith.constant 1 : i32
    scf.for %scan3A_153 = %scan3A_140 to %scan3A_142 step %scan3A_143  : i32 {
      %mul3A_154 = arith.constant 2 : i32
      %mul3A_155 = arith.muli %mul3A_154, %scan3A_153 : i32
      %add3A_156 = arith.constant 0 : i32
      %add3A_157 = arith.addi %mul3A_155, %add3A_156 : i32
      %dma_wait3A_158 = arith.constant 0 : i32
      %dma_wait3A_159 = arith.constant 0 : i32
      %dma_wait3A_160 = tpu.memref_slice %arg2[%dma_wait3A_158, %dma_wait3A_159] : memref<10000x128xf32, #tpu.memory_space<hbm>> -> memref<128x128xf32, #tpu.memory_space<hbm>>
      %dma_wait3A_161 = arith.constant 0 : i32
      %dma_wait3A_162 = arith.constant 0 : i32
      %dma_wait3A_163 = tpu.memref_slice %arg2[%dma_wait3A_161, %dma_wait3A_162] : memref<10000x128xf32, #tpu.memory_space<hbm>> -> memref<128x128xf32, #tpu.memory_space<hbm>>
      tpu.wait_dma2 semaphore(%arg12 : memref<!tpu.dma_semaphore, #tpu.memory_space<semaphore_mem>>) src(%dma_wait3A_163 : memref<128x128xf32, #tpu.memory_space<hbm>>) dst(%arg6 : memref<128x128xf32, #tpu.memory_space<vmem>>)
      %add3A_164 = arith.constant 2 : i32
      %add3A_165 = arith.addi %add3A_157, %add3A_164 : i32
      %lt3A_166 = arith.cmpi slt, %add3A_165, %add3A_7 : i32
      %convert_element_type3A_167 = arith.extui %lt3A_166 : i1 to i32
      %cond3A_168 = arith.constant 0 : i32
      %cond3A_169 = arith.cmpi ne, %convert_element_type3A_167, %cond3A_168 : i32
      scf.if %cond3A_169 {
        %add3A_214 = arith.addi %add3A_4, %add3A_157 : i32
        %add3A_215 = arith.constant 2 : i32
        %add3A_216 = arith.addi %add3A_214, %add3A_215 : i32
        %dma_start3A_217 = arith.constant 0 : i32
        %dma_start3A_218 = arith.constant 0 : i32
        %dma_start3A_219 = tpu.memref_slice %arg3[%dma_start3A_217, %add3A_216, %dma_start3A_218] : memref<2x2500x128xi32, #tpu.memory_space<hbm>> -> memref<1x1x128xi32, #tpu.memory_space<hbm>>
        %dma_start3A_220 = tpu.memref_squeeze %dma_start3A_219 : memref<1x1x128xi32, #tpu.memory_space<hbm>> -> memref<128xi32, #tpu.memory_space<hbm>>
        %dma_start3A_221 = arith.constant 0 : i32
        %dma_start3A_222 = tpu.memref_slice %arg3[%dma_start3A_217, %add3A_216, %dma_start3A_221] : memref<2x2500x128xi32, #tpu.memory_space<hbm>> -> memref<1x1x128xi32, #tpu.memory_space<hbm>>
        %dma_start3A_223 = tpu.memref_squeeze %dma_start3A_222 : memref<1x1x128xi32, #tpu.memory_space<hbm>> -> memref<128xi32, #tpu.memory_space<hbm>>
        tpu.enqueue_dma source(%dma_start3A_223 : memref<128xi32, #tpu.memory_space<hbm>>) target(%arg8 : memref<128xi32, #tpu.memory_space<vmem>>) target_semaphore(%arg14 : memref<!tpu.dma_semaphore, #tpu.memory_space<semaphore_mem>>)
      } else {
      }
      %dma_wait3A_170 = arith.constant 1 : i32
      %dma_wait3A_171 = arith.constant 0 : i32
      %dma_wait3A_172 = arith.constant 0 : i32
      %dma_wait3A_173 = tpu.memref_slice %arg3[%dma_wait3A_170, %dma_wait3A_171, %dma_wait3A_172] : memref<2x2500x128xi32, #tpu.memory_space<hbm>> -> memref<1x1x128xi32, #tpu.memory_space<hbm>>
      %dma_wait3A_174 = tpu.memref_squeeze %dma_wait3A_173 : memref<1x1x128xi32, #tpu.memory_space<hbm>> -> memref<128xi32, #tpu.memory_space<hbm>>
      %dma_wait3A_175 = arith.constant 0 : i32
      %dma_wait3A_176 = tpu.memref_slice %arg3[%dma_wait3A_170, %dma_wait3A_171, %dma_wait3A_175] : memref<2x2500x128xi32, #tpu.memory_space<hbm>> -> memref<1x1x128xi32, #tpu.memory_space<hbm>>
      %dma_wait3A_177 = tpu.memref_squeeze %dma_wait3A_176 : memref<1x1x128xi32, #tpu.memory_space<hbm>> -> memref<128xi32, #tpu.memory_space<hbm>>
      tpu.wait_dma2 semaphore(%arg16 : memref<!tpu.dma_semaphore, #tpu.memory_space<semaphore_mem>>) src(%dma_wait3A_177 : memref<128xi32, #tpu.memory_space<hbm>>) dst(%arg10 : memref<128xi32, #tpu.memory_space<vmem>>)
      "tpu.region"() ({
        %run_scoped3A = tpu.sem_alloc : memref<!tpu.dma_semaphore, #tpu.memory_space<semaphore_mem>>
        %dma_start3A_214 = arith.constant 0 : i32
        %dma_start3A_215 = arith.constant 0 : i32
        %dma_start3A_216 = tpu.memref_slice %arg5[%dma_start3A_214, %dma_start3A_215] : memref<10240x128xf32, #tpu.memory_space<vmem_shared>> -> memref<10240x128xf32, #tpu.memory_space<vmem_shared>>
        tpu.enqueue_indirect_dma source(%arg6 : memref<128x128xf32, #tpu.memory_space<vmem>>) target(%dma_start3A_216 : memref<10240x128xf32, #tpu.memory_space<vmem_shared>>) offsets(%arg10 : memref<128xi32, #tpu.memory_space<vmem>>) semaphore(%run_scoped3A : memref<!tpu.dma_semaphore, #tpu.memory_space<semaphore_mem>>) {add = true}
        %dma_wait3A_217 = arith.constant 0 : i32
        %dma_wait3A_218 = arith.constant 0 : i32
        %dma_wait3A_219 = tpu.memref_slice %arg5[%dma_wait3A_217, %dma_wait3A_218] : memref<10240x128xf32, #tpu.memory_space<vmem_shared>> -> memref<10240x128xf32, #tpu.memory_space<vmem_shared>>
        tpu.wait_indirect_dma semaphore(%run_scoped3A : memref<!tpu.dma_semaphore, #tpu.memory_space<semaphore_mem>>) src(%arg6 : memref<128x128xf32, #tpu.memory_space<vmem>>) dst(%dma_wait3A_219 : memref<10240x128xf32, #tpu.memory_space<vmem_shared>>)
        tpu.yield
      }) : () -> ()
      %add3A_178 = arith.constant 2 : i32
      %add3A_179 = arith.addi %add3A_157, %add3A_178 : i32
      %lt3A_180 = arith.cmpi slt, %add3A_179, %add3A_7 : i32
      %convert_element_type3A_181 = arith.extui %lt3A_180 : i1 to i32
      %cond3A_182 = arith.constant 0 : i32
      %cond3A_183 = arith.cmpi ne, %convert_element_type3A_181, %cond3A_182 : i32
      scf.if %cond3A_183 {
        %add3A_214 = arith.addi %add3A_4, %add3A_157 : i32
        %add3A_215 = arith.constant 2 : i32
        %add3A_216 = arith.addi %add3A_214, %add3A_215 : i32
        %dma_start3A_217 = arith.constant 1 : i32
        %dma_start3A_218 = arith.constant 0 : i32
        %dma_start3A_219 = tpu.memref_slice %arg3[%dma_start3A_217, %add3A_216, %dma_start3A_218] : memref<2x2500x128xi32, #tpu.memory_space<hbm>> -> memref<1x1x128xi32, #tpu.memory_space<hbm>>
        %dma_start3A_220 = tpu.memref_squeeze %dma_start3A_219 : memref<1x1x128xi32, #tpu.memory_space<hbm>> -> memref<128xi32, #tpu.memory_space<hbm>>
        %dma_start3A_221 = arith.constant 0 : i32
        %dma_start3A_222 = tpu.memref_slice %arg3[%dma_start3A_217, %add3A_216, %dma_start3A_221] : memref<2x2500x128xi32, #tpu.memory_space<hbm>> -> memref<1x1x128xi32, #tpu.memory_space<hbm>>
        %dma_start3A_223 = tpu.memref_squeeze %dma_start3A_222 : memref<1x1x128xi32, #tpu.memory_space<hbm>> -> memref<128xi32, #tpu.memory_space<hbm>>
        tpu.enqueue_dma source(%dma_start3A_223 : memref<128xi32, #tpu.memory_space<hbm>>) target(%arg10 : memref<128xi32, #tpu.memory_space<vmem>>) target_semaphore(%arg16 : memref<!tpu.dma_semaphore, #tpu.memory_space<semaphore_mem>>)
        %dma_wait3A_224 = arith.constant 0 : i32
        %dma_wait3A_225 = arith.constant 0 : i32
        %dma_wait3A_226 = arith.constant 0 : i32
        %dma_wait3A_227 = tpu.memref_slice %arg3[%dma_wait3A_224, %dma_wait3A_225, %dma_wait3A_226] : memref<2x2500x128xi32, #tpu.memory_space<hbm>> -> memref<1x1x128xi32, #tpu.memory_space<hbm>>
        %dma_wait3A_228 = tpu.memref_squeeze %dma_wait3A_227 : memref<1x1x128xi32, #tpu.memory_space<hbm>> -> memref<128xi32, #tpu.memory_space<hbm>>
        %dma_wait3A_229 = arith.constant 0 : i32
        %dma_wait3A_230 = tpu.memref_slice %arg3[%dma_wait3A_224, %dma_wait3A_225, %dma_wait3A_229] : memref<2x2500x128xi32, #tpu.memory_space<hbm>> -> memref<1x1x128xi32, #tpu.memory_space<hbm>>
        %dma_wait3A_231 = tpu.memref_squeeze %dma_wait3A_230 : memref<1x1x128xi32, #tpu.memory_space<hbm>> -> memref<128xi32, #tpu.memory_space<hbm>>
        tpu.wait_dma2 semaphore(%arg14 : memref<!tpu.dma_semaphore, #tpu.memory_space<semaphore_mem>>) src(%dma_wait3A_231 : memref<128xi32, #tpu.memory_space<hbm>>) dst(%arg8 : memref<128xi32, #tpu.memory_space<vmem>>)
        %dma_start3A_232 = arith.constant 0 : i32
        %dma_start3A_233 = arith.constant 0 : i32
        %dma_start3A_234 = tpu.memref_slice %arg2[%dma_start3A_232, %dma_start3A_233] : memref<10000x128xf32, #tpu.memory_space<hbm>> -> memref<10000x128xf32, #tpu.memory_space<hbm>>
        tpu.enqueue_indirect_dma source(%dma_start3A_234 : memref<10000x128xf32, #tpu.memory_space<hbm>>) target(%arg6 : memref<128x128xf32, #tpu.memory_space<vmem>>) offsets(%arg8 : memref<128xi32, #tpu.memory_space<vmem>>) semaphore(%arg12 : memref<!tpu.dma_semaphore, #tpu.memory_space<semaphore_mem>>)
      } else {
      }
      %mul3A_184 = arith.constant 2 : i32
      %mul3A_185 = arith.muli %mul3A_184, %scan3A_153 : i32
      %add3A_186 = arith.constant 1 : i32
      %add3A_187 = arith.addi %mul3A_185, %add3A_186 : i32
      %dma_wait3A_188 = arith.constant 0 : i32
      %dma_wait3A_189 = arith.constant 0 : i32
      %dma_wait3A_190 = tpu.memref_slice %arg2[%dma_wait3A_188, %dma_wait3A_189] : memref<10000x128xf32, #tpu.memory_space<hbm>> -> memref<128x128xf32, #tpu.memory_space<hbm>>
      %dma_wait3A_191 = arith.constant 0 : i32
      %dma_wait3A_192 = arith.constant 0 : i32
      %dma_wait3A_193 = tpu.memref_slice %arg2[%dma_wait3A_191, %dma_wait3A_192] : memref<10000x128xf32, #tpu.memory_space<hbm>> -> memref<128x128xf32, #tpu.memory_space<hbm>>
      tpu.wait_dma2 semaphore(%arg13 : memref<!tpu.dma_semaphore, #tpu.memory_space<semaphore_mem>>) src(%dma_wait3A_193 : memref<128x128xf32, #tpu.memory_space<hbm>>) dst(%arg7 : memref<128x128xf32, #tpu.memory_space<vmem>>)
      %add3A_194 = arith.constant 2 : i32
      %add3A_195 = arith.addi %add3A_187, %add3A_194 : i32
      %lt3A_196 = arith.cmpi slt, %add3A_195, %add3A_7 : i32
      %convert_element_type3A_197 = arith.extui %lt3A_196 : i1 to i32
      %cond3A_198 = arith.constant 0 : i32
      %cond3A_199 = arith.cmpi ne, %convert_element_type3A_197, %cond3A_198 : i32
      scf.if %cond3A_199 {
        %add3A_214 = arith.addi %add3A_4, %add3A_187 : i32
        %add3A_215 = arith.constant 2 : i32
        %add3A_216 = arith.addi %add3A_214, %add3A_215 : i32
        %dma_start3A_217 = arith.constant 0 : i32
        %dma_start3A_218 = arith.constant 0 : i32
        %dma_start3A_219 = tpu.memref_slice %arg3[%dma_start3A_217, %add3A_216, %dma_start3A_218] : memref<2x2500x128xi32, #tpu.memory_space<hbm>> -> memref<1x1x128xi32, #tpu.memory_space<hbm>>
        %dma_start3A_220 = tpu.memref_squeeze %dma_start3A_219 : memref<1x1x128xi32, #tpu.memory_space<hbm>> -> memref<128xi32, #tpu.memory_space<hbm>>
        %dma_start3A_221 = arith.constant 0 : i32
        %dma_start3A_222 = tpu.memref_slice %arg3[%dma_start3A_217, %add3A_216, %dma_start3A_221] : memref<2x2500x128xi32, #tpu.memory_space<hbm>> -> memref<1x1x128xi32, #tpu.memory_space<hbm>>
        %dma_start3A_223 = tpu.memref_squeeze %dma_start3A_222 : memref<1x1x128xi32, #tpu.memory_space<hbm>> -> memref<128xi32, #tpu.memory_space<hbm>>
        tpu.enqueue_dma source(%dma_start3A_223 : memref<128xi32, #tpu.memory_space<hbm>>) target(%arg9 : memref<128xi32, #tpu.memory_space<vmem>>) target_semaphore(%arg15 : memref<!tpu.dma_semaphore, #tpu.memory_space<semaphore_mem>>)
      } else {
      }
      %dma_wait3A_200 = arith.constant 1 : i32
      %dma_wait3A_201 = arith.constant 0 : i32
      %dma_wait3A_202 = arith.constant 0 : i32
      %dma_wait3A_203 = tpu.memref_slice %arg3[%dma_wait3A_200, %dma_wait3A_201, %dma_wait3A_202] : memref<2x2500x128xi32, #tpu.memory_space<hbm>> -> memref<1x1x128xi32, #tpu.memory_space<hbm>>
      %dma_wait3A_204 = tpu.memref_squeeze %dma_wait3A_203 : memref<1x1x128xi32, #tpu.memory_space<hbm>> -> memref<128xi32, #tpu.memory_space<hbm>>
      %dma_wait3A_205 = arith.constant 0 : i32
      %dma_wait3A_206 = tpu.memref_slice %arg3[%dma_wait3A_200, %dma_wait3A_201, %dma_wait3A_205] : memref<2x2500x128xi32, #tpu.memory_space<hbm>> -> memref<1x1x128xi32, #tpu.memory_space<hbm>>
      %dma_wait3A_207 = tpu.memref_squeeze %dma_wait3A_206 : memref<1x1x128xi32, #tpu.memory_space<hbm>> -> memref<128xi32, #tpu.memory_space<hbm>>
      tpu.wait_dma2 semaphore(%arg17 : memref<!tpu.dma_semaphore, #tpu.memory_space<semaphore_mem>>) src(%dma_wait3A_207 : memref<128xi32, #tpu.memory_space<hbm>>) dst(%arg11 : memref<128xi32, #tpu.memory_space<vmem>>)
      "tpu.region"() ({
        %run_scoped3A = tpu.sem_alloc : memref<!tpu.dma_semaphore, #tpu.memory_space<semaphore_mem>>
        %dma_start3A_214 = arith.constant 0 : i32
        %dma_start3A_215 = arith.constant 0 : i32
        %dma_start3A_216 = tpu.memref_slice %arg5[%dma_start3A_214, %dma_start3A_215] : memref<10240x128xf32, #tpu.memory_space<vmem_shared>> -> memref<10240x128xf32, #tpu.memory_space<vmem_shared>>
        tpu.enqueue_indirect_dma source(%arg7 : memref<128x128xf32, #tpu.memory_space<vmem>>) target(%dma_start3A_216 : memref<10240x128xf32, #tpu.memory_space<vmem_shared>>) offsets(%arg11 : memref<128xi32, #tpu.memory_space<vmem>>) semaphore(%run_scoped3A : memref<!tpu.dma_semaphore, #tpu.memory_space<semaphore_mem>>) {add = true}
        %dma_wait3A_217 = arith.constant 0 : i32
        %dma_wait3A_218 = arith.constant 0 : i32
        %dma_wait3A_219 = tpu.memref_slice %arg5[%dma_wait3A_217, %dma_wait3A_218] : memref<10240x128xf32, #tpu.memory_space<vmem_shared>> -> memref<10240x128xf32, #tpu.memory_space<vmem_shared>>
        tpu.wait_indirect_dma semaphore(%run_scoped3A : memref<!tpu.dma_semaphore, #tpu.memory_space<semaphore_mem>>) src(%arg7 : memref<128x128xf32, #tpu.memory_space<vmem>>) dst(%dma_wait3A_219 : memref<10240x128xf32, #tpu.memory_space<vmem_shared>>)
        tpu.yield
      }) : () -> ()
      %add3A_208 = arith.constant 2 : i32
      %add3A_209 = arith.addi %add3A_187, %add3A_208 : i32
      %lt3A_210 = arith.cmpi slt, %add3A_209, %add3A_7 : i32
      %convert_element_type3A_211 = arith.extui %lt3A_210 : i1 to i32
      %cond3A_212 = arith.constant 0 : i32
      %cond3A_213 = arith.cmpi ne, %convert_element_type3A_211, %cond3A_212 : i32
      scf.if %cond3A_213 {
        %add3A_214 = arith.addi %add3A_4, %add3A_187 : i32
        %add3A_215 = arith.constant 2 : i32
        %add3A_216 = arith.addi %add3A_214, %add3A_215 : i32
        %dma_start3A_217 = arith.constant 1 : i32
        %dma_start3A_218 = arith.constant 0 : i32
        %dma_start3A_219 = tpu.memref_slice %arg3[%dma_start3A_217, %add3A_216, %dma_start3A_218] : memref<2x2500x128xi32, #tpu.memory_space<hbm>> -> memref<1x1x128xi32, #tpu.memory_space<hbm>>
        %dma_start3A_220 = tpu.memref_squeeze %dma_start3A_219 : memref<1x1x128xi32, #tpu.memory_space<hbm>> -> memref<128xi32, #tpu.memory_space<hbm>>
        %dma_start3A_221 = arith.constant 0 : i32
        %dma_start3A_222 = tpu.memref_slice %arg3[%dma_start3A_217, %add3A_216, %dma_start3A_221] : memref<2x2500x128xi32, #tpu.memory_space<hbm>> -> memref<1x1x128xi32, #tpu.memory_space<hbm>>
        %dma_start3A_223 = tpu.memref_squeeze %dma_start3A_222 : memref<1x1x128xi32, #tpu.memory_space<hbm>> -> memref<128xi32, #tpu.memory_space<hbm>>
        tpu.enqueue_dma source(%dma_start3A_223 : memref<128xi32, #tpu.memory_space<hbm>>) target(%arg11 : memref<128xi32, #tpu.memory_space<vmem>>) target_semaphore(%arg17 : memref<!tpu.dma_semaphore, #tpu.memory_space<semaphore_mem>>)
        %dma_wait3A_224 = arith.constant 0 : i32
        %dma_wait3A_225 = arith.constant 0 : i32
        %dma_wait3A_226 = arith.constant 0 : i32
        %dma_wait3A_227 = tpu.memref_slice %arg3[%dma_wait3A_224, %dma_wait3A_225, %dma_wait3A_226] : memref<2x2500x128xi32, #tpu.memory_space<hbm>> -> memref<1x1x128xi32, #tpu.memory_space<hbm>>
        %dma_wait3A_228 = tpu.memref_squeeze %dma_wait3A_227 : memref<1x1x128xi32, #tpu.memory_space<hbm>> -> memref<128xi32, #tpu.memory_space<hbm>>
        %dma_wait3A_229 = arith.constant 0 : i32
        %dma_wait3A_230 = tpu.memref_slice %arg3[%dma_wait3A_224, %dma_wait3A_225, %dma_wait3A_229] : memref<2x2500x128xi32, #tpu.memory_space<hbm>> -> memref<1x1x128xi32, #tpu.memory_space<hbm>>
        %dma_wait3A_231 = tpu.memref_squeeze %dma_wait3A_230 : memref<1x1x128xi32, #tpu.memory_space<hbm>> -> memref<128xi32, #tpu.memory_space<hbm>>
        tpu.wait_dma2 semaphore(%arg15 : memref<!tpu.dma_semaphore, #tpu.memory_space<semaphore_mem>>) src(%dma_wait3A_231 : memref<128xi32, #tpu.memory_space<hbm>>) dst(%arg9 : memref<128xi32, #tpu.memory_space<vmem>>)
        %dma_start3A_232 = arith.constant 0 : i32
        %dma_start3A_233 = arith.constant 0 : i32
        %dma_start3A_234 = tpu.memref_slice %arg2[%dma_start3A_232, %dma_start3A_233] : memref<10000x128xf32, #tpu.memory_space<hbm>> -> memref<10000x128xf32, #tpu.memory_space<hbm>>
        tpu.enqueue_indirect_dma source(%dma_start3A_234 : memref<10000x128xf32, #tpu.memory_space<hbm>>) target(%arg7 : memref<128x128xf32, #tpu.memory_space<vmem>>) offsets(%arg9 : memref<128xi32, #tpu.memory_space<vmem>>) semaphore(%arg13 : memref<!tpu.dma_semaphore, #tpu.memory_space<semaphore_mem>>)
      } else {
      }
    }
    %scan3A_144 = arith.constant 39 : i32
    %gt3A = arith.constant 78 : i32
    %gt3A_145 = arith.cmpi sgt, %add3A_7, %gt3A : i32
    %convert_element_type3A_146 = arith.extui %gt3A_145 : i1 to i32
    %cond3A = arith.constant 0 : i32
    %cond3A_147 = arith.cmpi ne, %convert_element_type3A_146, %cond3A : i32
    scf.if %cond3A_147 {
      %dma_wait3A_153 = arith.constant 0 : i32
      %dma_wait3A_154 = arith.constant 0 : i32
      %dma_wait3A_155 = tpu.memref_slice %arg2[%dma_wait3A_153, %dma_wait3A_154] : memref<10000x128xf32, #tpu.memory_space<hbm>> -> memref<128x128xf32, #tpu.memory_space<hbm>>
      %dma_wait3A_156 = arith.constant 0 : i32
      %dma_wait3A_157 = arith.constant 0 : i32
      %dma_wait3A_158 = tpu.memref_slice %arg2[%dma_wait3A_156, %dma_wait3A_157] : memref<10000x128xf32, #tpu.memory_space<hbm>> -> memref<128x128xf32, #tpu.memory_space<hbm>>
      tpu.wait_dma2 semaphore(%arg12 : memref<!tpu.dma_semaphore, #tpu.memory_space<semaphore_mem>>) src(%dma_wait3A_158 : memref<128x128xf32, #tpu.memory_space<hbm>>) dst(%arg6 : memref<128x128xf32, #tpu.memory_space<vmem>>)
      %dma_wait3A_159 = arith.constant 1 : i32
      %dma_wait3A_160 = arith.constant 0 : i32
      %dma_wait3A_161 = arith.constant 0 : i32
      %dma_wait3A_162 = tpu.memref_slice %arg3[%dma_wait3A_159, %dma_wait3A_160, %dma_wait3A_161] : memref<2x2500x128xi32, #tpu.memory_space<hbm>> -> memref<1x1x128xi32, #tpu.memory_space<hbm>>
      %dma_wait3A_163 = tpu.memref_squeeze %dma_wait3A_162 : memref<1x1x128xi32, #tpu.memory_space<hbm>> -> memref<128xi32, #tpu.memory_space<hbm>>
      %dma_wait3A_164 = arith.constant 0 : i32
      %dma_wait3A_165 = tpu.memref_slice %arg3[%dma_wait3A_159, %dma_wait3A_160, %dma_wait3A_164] : memref<2x2500x128xi32, #tpu.memory_space<hbm>> -> memref<1x1x128xi32, #tpu.memory_space<hbm>>
      %dma_wait3A_166 = tpu.memref_squeeze %dma_wait3A_165 : memref<1x1x128xi32, #tpu.memory_space<hbm>> -> memref<128xi32, #tpu.memory_space<hbm>>
      tpu.wait_dma2 semaphore(%arg16 : memref<!tpu.dma_semaphore, #tpu.memory_space<semaphore_mem>>) src(%dma_wait3A_166 : memref<128xi32, #tpu.memory_space<hbm>>) dst(%arg10 : memref<128xi32, #tpu.memory_space<vmem>>)
      "tpu.region"() ({
        %run_scoped3A = tpu.sem_alloc : memref<!tpu.dma_semaphore, #tpu.memory_space<semaphore_mem>>
        %dma_start3A_167 = arith.constant 0 : i32
        %dma_start3A_168 = arith.constant 0 : i32
        %dma_start3A_169 = tpu.memref_slice %arg5[%dma_start3A_167, %dma_start3A_168] : memref<10240x128xf32, #tpu.memory_space<vmem_shared>> -> memref<10240x128xf32, #tpu.memory_space<vmem_shared>>
        tpu.enqueue_indirect_dma source(%arg6 : memref<128x128xf32, #tpu.memory_space<vmem>>) target(%dma_start3A_169 : memref<10240x128xf32, #tpu.memory_space<vmem_shared>>) offsets(%arg10 : memref<128xi32, #tpu.memory_space<vmem>>) semaphore(%run_scoped3A : memref<!tpu.dma_semaphore, #tpu.memory_space<semaphore_mem>>) {add = true}
        %dma_wait3A_170 = arith.constant 0 : i32
        %dma_wait3A_171 = arith.constant 0 : i32
        %dma_wait3A_172 = tpu.memref_slice %arg5[%dma_wait3A_170, %dma_wait3A_171] : memref<10240x128xf32, #tpu.memory_space<vmem_shared>> -> memref<10240x128xf32, #tpu.memory_space<vmem_shared>>
        tpu.wait_indirect_dma semaphore(%run_scoped3A : memref<!tpu.dma_semaphore, #tpu.memory_space<semaphore_mem>>) src(%arg6 : memref<128x128xf32, #tpu.memory_space<vmem>>) dst(%dma_wait3A_172 : memref<10240x128xf32, #tpu.memory_space<vmem_shared>>)
        tpu.yield
      }) : () -> ()
    } else {
    }
    %barrier3A_148 = arith.constant 0 : index
    tpu.barrier barrier_id(%barrier3A_148)
    %mul3A_149 = arith.constant 640 : i32
    %mul3A_150 = arith.muli %arg1, %mul3A_149 : i32
    %mul3A_151 = arith.constant 640 : i32
    %mul3A_152 = arith.muli %arg1, %mul3A_151 : i32
    "tpu.region"() ({
      %run_scoped3A = tpu.sem_alloc : memref<!tpu.dma_semaphore, #tpu.memory_space<semaphore_mem>>
      %dma_start3A_153 = arith.constant 0 : i32
      %dma_start3A_154 = tpu.memref_slice %arg4[%arg0, %mul3A_152, %dma_start3A_153] : memref<2x10240x128xf32, #tpu.memory_space<hbm>> -> memref<1x640x128xf32, #tpu.memory_space<hbm>>
      %dma_start3A_155 = tpu.memref_squeeze %dma_start3A_154 : memref<1x640x128xf32, #tpu.memory_space<hbm>> -> memref<640x128xf32, #tpu.memory_space<hbm>>
      %dma_start3A_156 = arith.constant 0 : i32
      %dma_start3A_157 = tpu.memref_slice %arg5[%mul3A_150, %dma_start3A_156] : memref<10240x128xf32, #tpu.memory_space<vmem_shared>> -> memref<640x128xf32, #tpu.memory_space<vmem_shared>>
      tpu.enqueue_dma source(%dma_start3A_157 : memref<640x128xf32, #tpu.memory_space<vmem_shared>>) target(%dma_start3A_155 : memref<640x128xf32, #tpu.memory_space<hbm>>) target_semaphore(%run_scoped3A : memref<!tpu.dma_semaphore, #tpu.memory_space<semaphore_mem>>)
      %dma_wait3A_158 = arith.constant 0 : i32
      %dma_wait3A_159 = tpu.memref_slice %arg4[%arg0, %mul3A_152, %dma_wait3A_158] : memref<2x10240x128xf32, #tpu.memory_space<hbm>> -> memref<1x640x128xf32, #tpu.memory_space<hbm>>
      %dma_wait3A_160 = tpu.memref_squeeze %dma_wait3A_159 : memref<1x640x128xf32, #tpu.memory_space<hbm>> -> memref<640x128xf32, #tpu.memory_space<hbm>>
      %dma_wait3A_161 = arith.constant 0 : i32
      %dma_wait3A_162 = tpu.memref_slice %arg5[%mul3A_150, %dma_wait3A_161] : memref<10240x128xf32, #tpu.memory_space<vmem_shared>> -> memref<640x128xf32, #tpu.memory_space<vmem_shared>>
      tpu.wait_dma2 semaphore(%run_scoped3A : memref<!tpu.dma_semaphore, #tpu.memory_space<semaphore_mem>>) src(%dma_wait3A_162 : memref<640x128xf32, #tpu.memory_space<vmem_shared>>) dst(%dma_wait3A_160 : memref<640x128xf32, #tpu.memory_space<hbm>>)
      tpu.yield
    }) : () -> ()
    return
  }
}

#map = affine_map<(d0, d1) -> (0, 0, 0)>
#map1 = affine_map<(d0, d1) -> (0, 0)>
module attributes {stable_mosaic.version = 14 : i64} {
  func.func @_deg_body(%arg0: i32, %arg1: i32, %arg2: memref<2x2500x128xi32, #tpu.memory_space<hbm>>, %arg3: memref<2x10240xf32, #tpu.memory_space<hbm>>, %arg4: memref<160x128xi32, #tpu.memory_space<vmem>>, %arg5: memref<128xf32, #tpu.memory_space<vmem>>, %arg6: memref<640xf32, #tpu.memory_space<vmem>>, %arg7: memref<10240xf32, #tpu.memory_space<vmem_shared>>, %arg8: memref<!tpu.dma_semaphore, #tpu.memory_space<semaphore_mem>>) attributes {dimension_semantics = [#tpu.dimension_semantics<core_parallel>, #tpu.dimension_semantics<subcore_parallel>], iteration_bounds = array<i64: 2, 16>, scalar_prefetch = 0 : i64, scratch_operands = 5 : i64, tpu.core_type = #tpu.core_type<sc_vector_subcore>, window_params = [{transform_indices = #map}, {transform_indices = #map1}]} {
    %broadcast_in_dim3A = arith.constant 1.000000e+00 : f32
    %broadcast_in_dim3A_0 = vector.broadcast %broadcast_in_dim3A : f32 to vector<16xf32>
    %swap3A = arith.constant 0 : index
    %swap3A_1 = tpu.vector_load %arg5[%swap3A] {strides = array<i32>} : memref<128xf32, #tpu.memory_space<vmem>>, vector<16xf32>,
    %swap3A_2 = vector.shape_cast %swap3A_1 : vector<16xf32> to vector<16xf32>
    %swap3A_3 = vector.shape_cast %broadcast_in_dim3A_0 : vector<16xf32> to vector<16xf32>
    tpu.vector_store %arg5[%swap3A], %swap3A_3 {strides = array<i32>} : memref<128xf32, #tpu.memory_space<vmem>>, vector<16xf32>,
    %broadcast_in_dim3A_4 = arith.constant 1.000000e+00 : f32
    %broadcast_in_dim3A_5 = vector.broadcast %broadcast_in_dim3A_4 : f32 to vector<16xf32>
    %swap3A_6 = arith.constant 16 : index
    %swap3A_7 = tpu.vector_load %arg5[%swap3A_6] {strides = array<i32>} : memref<128xf32, #tpu.memory_space<vmem>>, vector<16xf32>,
    %swap3A_8 = vector.shape_cast %swap3A_7 : vector<16xf32> to vector<16xf32>
    %swap3A_9 = vector.shape_cast %broadcast_in_dim3A_5 : vector<16xf32> to vector<16xf32>
    tpu.vector_store %arg5[%swap3A_6], %swap3A_9 {strides = array<i32>} : memref<128xf32, #tpu.memory_space<vmem>>, vector<16xf32>,
    %broadcast_in_dim3A_10 = arith.constant 1.000000e+00 : f32
    %broadcast_in_dim3A_11 = vector.broadcast %broadcast_in_dim3A_10 : f32 to vector<16xf32>
    %swap3A_12 = arith.constant 32 : index
    %swap3A_13 = tpu.vector_load %arg5[%swap3A_12] {strides = array<i32>} : memref<128xf32, #tpu.memory_space<vmem>>, vector<16xf32>,
    %swap3A_14 = vector.shape_cast %swap3A_13 : vector<16xf32> to vector<16xf32>
    %swap3A_15 = vector.shape_cast %broadcast_in_dim3A_11 : vector<16xf32> to vector<16xf32>
    tpu.vector_store %arg5[%swap3A_12], %swap3A_15 {strides = array<i32>} : memref<128xf32, #tpu.memory_space<vmem>>, vector<16xf32>,
    %broadcast_in_dim3A_16 = arith.constant 1.000000e+00 : f32
    %broadcast_in_dim3A_17 = vector.broadcast %broadcast_in_dim3A_16 : f32 to vector<16xf32>
    %swap3A_18 = arith.constant 48 : index
    %swap3A_19 = tpu.vector_load %arg5[%swap3A_18] {strides = array<i32>} : memref<128xf32, #tpu.memory_space<vmem>>, vector<16xf32>,
    %swap3A_20 = vector.shape_cast %swap3A_19 : vector<16xf32> to vector<16xf32>
    %swap3A_21 = vector.shape_cast %broadcast_in_dim3A_17 : vector<16xf32> to vector<16xf32>
    tpu.vector_store %arg5[%swap3A_18], %swap3A_21 {strides = array<i32>} : memref<128xf32, #tpu.memory_space<vmem>>, vector<16xf32>,
    %broadcast_in_dim3A_22 = arith.constant 1.000000e+00 : f32
    %broadcast_in_dim3A_23 = vector.broadcast %broadcast_in_dim3A_22 : f32 to vector<16xf32>
    %swap3A_24 = arith.constant 64 : index
    %swap3A_25 = tpu.vector_load %arg5[%swap3A_24] {strides = array<i32>} : memref<128xf32, #tpu.memory_space<vmem>>, vector<16xf32>,
    %swap3A_26 = vector.shape_cast %swap3A_25 : vector<16xf32> to vector<16xf32>
    %swap3A_27 = vector.shape_cast %broadcast_in_dim3A_23 : vector<16xf32> to vector<16xf32>
    tpu.vector_store %arg5[%swap3A_24], %swap3A_27 {strides = array<i32>} : memref<128xf32, #tpu.memory_space<vmem>>, vector<16xf32>,
    %broadcast_in_dim3A_28 = arith.constant 1.000000e+00 : f32
    %broadcast_in_dim3A_29 = vector.broadcast %broadcast_in_dim3A_28 : f32 to vector<16xf32>
    %swap3A_30 = arith.constant 80 : index
    %swap3A_31 = tpu.vector_load %arg5[%swap3A_30] {strides = array<i32>} : memref<128xf32, #tpu.memory_space<vmem>>, vector<16xf32>,
    %swap3A_32 = vector.shape_cast %swap3A_31 : vector<16xf32> to vector<16xf32>
    %swap3A_33 = vector.shape_cast %broadcast_in_dim3A_29 : vector<16xf32> to vector<16xf32>
    tpu.vector_store %arg5[%swap3A_30], %swap3A_33 {strides = array<i32>} : memref<128xf32, #tpu.memory_space<vmem>>, vector<16xf32>,
    %broadcast_in_dim3A_34 = arith.constant 1.000000e+00 : f32
    %broadcast_in_dim3A_35 = vector.broadcast %broadcast_in_dim3A_34 : f32 to vector<16xf32>
    %swap3A_36 = arith.constant 96 : index
    %swap3A_37 = tpu.vector_load %arg5[%swap3A_36] {strides = array<i32>} : memref<128xf32, #tpu.memory_space<vmem>>, vector<16xf32>,
    %swap3A_38 = vector.shape_cast %swap3A_37 : vector<16xf32> to vector<16xf32>
    %swap3A_39 = vector.shape_cast %broadcast_in_dim3A_35 : vector<16xf32> to vector<16xf32>
    tpu.vector_store %arg5[%swap3A_36], %swap3A_39 {strides = array<i32>} : memref<128xf32, #tpu.memory_space<vmem>>, vector<16xf32>,
    %broadcast_in_dim3A_40 = arith.constant 1.000000e+00 : f32
    %broadcast_in_dim3A_41 = vector.broadcast %broadcast_in_dim3A_40 : f32 to vector<16xf32>
    %swap3A_42 = arith.constant 112 : index
    %swap3A_43 = tpu.vector_load %arg5[%swap3A_42] {strides = array<i32>} : memref<128xf32, #tpu.memory_space<vmem>>, vector<16xf32>,
    %swap3A_44 = vector.shape_cast %swap3A_43 : vector<16xf32> to vector<16xf32>
    %swap3A_45 = vector.shape_cast %broadcast_in_dim3A_41 : vector<16xf32> to vector<16xf32>
    tpu.vector_store %arg5[%swap3A_42], %swap3A_45 {strides = array<i32>} : memref<128xf32, #tpu.memory_space<vmem>>, vector<16xf32>,
    %broadcast_in_dim3A_46 = arith.constant 0.000000e+00 : f32
    %broadcast_in_dim3A_47 = vector.broadcast %broadcast_in_dim3A_46 : f32 to vector<16xf32>
    %swap3A_48 = arith.constant 0 : index
    %swap3A_49 = tpu.vector_load %arg6[%swap3A_48] {strides = array<i32>} : memref<640xf32, #tpu.memory_space<vmem>>, vector<16xf32>,
    %swap3A_50 = vector.shape_cast %swap3A_49 : vector<16xf32> to vector<16xf32>
    %swap3A_51 = vector.shape_cast %broadcast_in_dim3A_47 : vector<16xf32> to vector<16xf32>
    tpu.vector_store %arg6[%swap3A_48], %swap3A_51 {strides = array<i32>} : memref<640xf32, #tpu.memory_space<vmem>>, vector<16xf32>,
    %broadcast_in_dim3A_52 = arith.constant 0.000000e+00 : f32
    %broadcast_in_dim3A_53 = vector.broadcast %broadcast_in_dim3A_52 : f32 to vector<16xf32>
    %swap3A_54 = arith.constant 16 : index
    %swap3A_55 = tpu.vector_load %arg6[%swap3A_54] {strides = array<i32>} : memref<640xf32, #tpu.memory_space<vmem>>, vector<16xf32>,
    %swap3A_56 = vector.shape_cast %swap3A_55 : vector<16xf32> to vector<16xf32>
    %swap3A_57 = vector.shape_cast %broadcast_in_dim3A_53 : vector<16xf32> to vector<16xf32>
    tpu.vector_store %arg6[%swap3A_54], %swap3A_57 {strides = array<i32>} : memref<640xf32, #tpu.memory_space<vmem>>, vector<16xf32>,
    %broadcast_in_dim3A_58 = arith.constant 0.000000e+00 : f32
    %broadcast_in_dim3A_59 = vector.broadcast %broadcast_in_dim3A_58 : f32 to vector<16xf32>
    %swap3A_60 = arith.constant 32 : index
    %swap3A_61 = tpu.vector_load %arg6[%swap3A_60] {strides = array<i32>} : memref<640xf32, #tpu.memory_space<vmem>>, vector<16xf32>,
    %swap3A_62 = vector.shape_cast %swap3A_61 : vector<16xf32> to vector<16xf32>
    %swap3A_63 = vector.shape_cast %broadcast_in_dim3A_59 : vector<16xf32> to vector<16xf32>
    tpu.vector_store %arg6[%swap3A_60], %swap3A_63 {strides = array<i32>} : memref<640xf32, #tpu.memory_space<vmem>>, vector<16xf32>,
    %broadcast_in_dim3A_64 = arith.constant 0.000000e+00 : f32
    %broadcast_in_dim3A_65 = vector.broadcast %broadcast_in_dim3A_64 : f32 to vector<16xf32>
    %swap3A_66 = arith.constant 48 : index
    %swap3A_67 = tpu.vector_load %arg6[%swap3A_66] {strides = array<i32>} : memref<640xf32, #tpu.memory_space<vmem>>, vector<16xf32>,
    %swap3A_68 = vector.shape_cast %swap3A_67 : vector<16xf32> to vector<16xf32>
    %swap3A_69 = vector.shape_cast %broadcast_in_dim3A_65 : vector<16xf32> to vector<16xf32>
    tpu.vector_store %arg6[%swap3A_66], %swap3A_69 {strides = array<i32>} : memref<640xf32, #tpu.memory_space<vmem>>, vector<16xf32>,
    %broadcast_in_dim3A_70 = arith.constant 0.000000e+00 : f32
    %broadcast_in_dim3A_71 = vector.broadcast %broadcast_in_dim3A_70 : f32 to vector<16xf32>
    %swap3A_72 = arith.constant 64 : index
    %swap3A_73 = tpu.vector_load %arg6[%swap3A_72] {strides = array<i32>} : memref<640xf32, #tpu.memory_space<vmem>>, vector<16xf32>,
    %swap3A_74 = vector.shape_cast %swap3A_73 : vector<16xf32> to vector<16xf32>
    %swap3A_75 = vector.shape_cast %broadcast_in_dim3A_71 : vector<16xf32> to vector<16xf32>
    tpu.vector_store %arg6[%swap3A_72], %swap3A_75 {strides = array<i32>} : memref<640xf32, #tpu.memory_space<vmem>>, vector<16xf32>,
    %broadcast_in_dim3A_76 = arith.constant 0.000000e+00 : f32
    %broadcast_in_dim3A_77 = vector.broadcast %broadcast_in_dim3A_76 : f32 to vector<16xf32>
    %swap3A_78 = arith.constant 80 : index
    %swap3A_79 = tpu.vector_load %arg6[%swap3A_78] {strides = array<i32>} : memref<640xf32, #tpu.memory_space<vmem>>, vector<16xf32>,
    %swap3A_80 = vector.shape_cast %swap3A_79 : vector<16xf32> to vector<16xf32>
    %swap3A_81 = vector.shape_cast %broadcast_in_dim3A_77 : vector<16xf32> to vector<16xf32>
    tpu.vector_store %arg6[%swap3A_78], %swap3A_81 {strides = array<i32>} : memref<640xf32, #tpu.memory_space<vmem>>, vector<16xf32>,
    %broadcast_in_dim3A_82 = arith.constant 0.000000e+00 : f32
    %broadcast_in_dim3A_83 = vector.broadcast %broadcast_in_dim3A_82 : f32 to vector<16xf32>
    %swap3A_84 = arith.constant 96 : index
    %swap3A_85 = tpu.vector_load %arg6[%swap3A_84] {strides = array<i32>} : memref<640xf32, #tpu.memory_space<vmem>>, vector<16xf32>,
    %swap3A_86 = vector.shape_cast %swap3A_85 : vector<16xf32> to vector<16xf32>
    %swap3A_87 = vector.shape_cast %broadcast_in_dim3A_83 : vector<16xf32> to vector<16xf32>
    tpu.vector_store %arg6[%swap3A_84], %swap3A_87 {strides = array<i32>} : memref<640xf32, #tpu.memory_space<vmem>>, vector<16xf32>,
    %broadcast_in_dim3A_88 = arith.constant 0.000000e+00 : f32
    %broadcast_in_dim3A_89 = vector.broadcast %broadcast_in_dim3A_88 : f32 to vector<16xf32>
    %swap3A_90 = arith.constant 112 : index
    %swap3A_91 = tpu.vector_load %arg6[%swap3A_90] {strides = array<i32>} : memref<640xf32, #tpu.memory_space<vmem>>, vector<16xf32>,
    %swap3A_92 = vector.shape_cast %swap3A_91 : vector<16xf32> to vector<16xf32>
    %swap3A_93 = vector.shape_cast %broadcast_in_dim3A_89 : vector<16xf32> to vector<16xf32>
    tpu.vector_store %arg6[%swap3A_90], %swap3A_93 {strides = array<i32>} : memref<640xf32, #tpu.memory_space<vmem>>, vector<16xf32>,
    %broadcast_in_dim3A_94 = arith.constant 0.000000e+00 : f32
    %broadcast_in_dim3A_95 = vector.broadcast %broadcast_in_dim3A_94 : f32 to vector<16xf32>
    %swap3A_96 = arith.constant 128 : index
    %swap3A_97 = tpu.vector_load %arg6[%swap3A_96] {strides = array<i32>} : memref<640xf32, #tpu.memory_space<vmem>>, vector<16xf32>,
    %swap3A_98 = vector.shape_cast %swap3A_97 : vector<16xf32> to vector<16xf32>
    %swap3A_99 = vector.shape_cast %broadcast_in_dim3A_95 : vector<16xf32> to vector<16xf32>
    tpu.vector_store %arg6[%swap3A_96], %swap3A_99 {strides = array<i32>} : memref<640xf32, #tpu.memory_space<vmem>>, vector<16xf32>,
    %broadcast_in_dim3A_100 = arith.constant 0.000000e+00 : f32
    %broadcast_in_dim3A_101 = vector.broadcast %broadcast_in_dim3A_100 : f32 to vector<16xf32>
    %swap3A_102 = arith.constant 144 : index
    %swap3A_103 = tpu.vector_load %arg6[%swap3A_102] {strides = array<i32>} : memref<640xf32, #tpu.memory_space<vmem>>, vector<16xf32>,
    %swap3A_104 = vector.shape_cast %swap3A_103 : vector<16xf32> to vector<16xf32>
    %swap3A_105 = vector.shape_cast %broadcast_in_dim3A_101 : vector<16xf32> to vector<16xf32>
    tpu.vector_store %arg6[%swap3A_102], %swap3A_105 {strides = array<i32>} : memref<640xf32, #tpu.memory_space<vmem>>, vector<16xf32>,
    %broadcast_in_dim3A_106 = arith.constant 0.000000e+00 : f32
    %broadcast_in_dim3A_107 = vector.broadcast %broadcast_in_dim3A_106 : f32 to vector<16xf32>
    %swap3A_108 = arith.constant 160 : index
    %swap3A_109 = tpu.vector_load %arg6[%swap3A_108] {strides = array<i32>} : memref<640xf32, #tpu.memory_space<vmem>>, vector<16xf32>,
    %swap3A_110 = vector.shape_cast %swap3A_109 : vector<16xf32> to vector<16xf32>
    %swap3A_111 = vector.shape_cast %broadcast_in_dim3A_107 : vector<16xf32> to vector<16xf32>
    tpu.vector_store %arg6[%swap3A_108], %swap3A_111 {strides = array<i32>} : memref<640xf32, #tpu.memory_space<vmem>>, vector<16xf32>,
    %broadcast_in_dim3A_112 = arith.constant 0.000000e+00 : f32
    %broadcast_in_dim3A_113 = vector.broadcast %broadcast_in_dim3A_112 : f32 to vector<16xf32>
    %swap3A_114 = arith.constant 176 : index
    %swap3A_115 = tpu.vector_load %arg6[%swap3A_114] {strides = array<i32>} : memref<640xf32, #tpu.memory_space<vmem>>, vector<16xf32>,
    %swap3A_116 = vector.shape_cast %swap3A_115 : vector<16xf32> to vector<16xf32>
    %swap3A_117 = vector.shape_cast %broadcast_in_dim3A_113 : vector<16xf32> to vector<16xf32>
    tpu.vector_store %arg6[%swap3A_114], %swap3A_117 {strides = array<i32>} : memref<640xf32, #tpu.memory_space<vmem>>, vector<16xf32>,
    %broadcast_in_dim3A_118 = arith.constant 0.000000e+00 : f32
    %broadcast_in_dim3A_119 = vector.broadcast %broadcast_in_dim3A_118 : f32 to vector<16xf32>
    %swap3A_120 = arith.constant 192 : index
    %swap3A_121 = tpu.vector_load %arg6[%swap3A_120] {strides = array<i32>} : memref<640xf32, #tpu.memory_space<vmem>>, vector<16xf32>,
    %swap3A_122 = vector.shape_cast %swap3A_121 : vector<16xf32> to vector<16xf32>
    %swap3A_123 = vector.shape_cast %broadcast_in_dim3A_119 : vector<16xf32> to vector<16xf32>
    tpu.vector_store %arg6[%swap3A_120], %swap3A_123 {strides = array<i32>} : memref<640xf32, #tpu.memory_space<vmem>>, vector<16xf32>,
    %broadcast_in_dim3A_124 = arith.constant 0.000000e+00 : f32
    %broadcast_in_dim3A_125 = vector.broadcast %broadcast_in_dim3A_124 : f32 to vector<16xf32>
    %swap3A_126 = arith.constant 208 : index
    %swap3A_127 = tpu.vector_load %arg6[%swap3A_126] {strides = array<i32>} : memref<640xf32, #tpu.memory_space<vmem>>, vector<16xf32>,
    %swap3A_128 = vector.shape_cast %swap3A_127 : vector<16xf32> to vector<16xf32>
    %swap3A_129 = vector.shape_cast %broadcast_in_dim3A_125 : vector<16xf32> to vector<16xf32>
    tpu.vector_store %arg6[%swap3A_126], %swap3A_129 {strides = array<i32>} : memref<640xf32, #tpu.memory_space<vmem>>, vector<16xf32>,
    %broadcast_in_dim3A_130 = arith.constant 0.000000e+00 : f32
    %broadcast_in_dim3A_131 = vector.broadcast %broadcast_in_dim3A_130 : f32 to vector<16xf32>
    %swap3A_132 = arith.constant 224 : index
    %swap3A_133 = tpu.vector_load %arg6[%swap3A_132] {strides = array<i32>} : memref<640xf32, #tpu.memory_space<vmem>>, vector<16xf32>,
    %swap3A_134 = vector.shape_cast %swap3A_133 : vector<16xf32> to vector<16xf32>
    %swap3A_135 = vector.shape_cast %broadcast_in_dim3A_131 : vector<16xf32> to vector<16xf32>
    tpu.vector_store %arg6[%swap3A_132], %swap3A_135 {strides = array<i32>} : memref<640xf32, #tpu.memory_space<vmem>>, vector<16xf32>,
    %broadcast_in_dim3A_136 = arith.constant 0.000000e+00 : f32
    %broadcast_in_dim3A_137 = vector.broadcast %broadcast_in_dim3A_136 : f32 to vector<16xf32>
    %swap3A_138 = arith.constant 240 : index
    %swap3A_139 = tpu.vector_load %arg6[%swap3A_138] {strides = array<i32>} : memref<640xf32, #tpu.memory_space<vmem>>, vector<16xf32>,
    %swap3A_140 = vector.shape_cast %swap3A_139 : vector<16xf32> to vector<16xf32>
    %swap3A_141 = vector.shape_cast %broadcast_in_dim3A_137 : vector<16xf32> to vector<16xf32>
    tpu.vector_store %arg6[%swap3A_138], %swap3A_141 {strides = array<i32>} : memref<640xf32, #tpu.memory_space<vmem>>, vector<16xf32>,
    %broadcast_in_dim3A_142 = arith.constant 0.000000e+00 : f32
    %broadcast_in_dim3A_143 = vector.broadcast %broadcast_in_dim3A_142 : f32 to vector<16xf32>
    %swap3A_144 = arith.constant 256 : index
    %swap3A_145 = tpu.vector_load %arg6[%swap3A_144] {strides = array<i32>} : memref<640xf32, #tpu.memory_space<vmem>>, vector<16xf32>,
    %swap3A_146 = vector.shape_cast %swap3A_145 : vector<16xf32> to vector<16xf32>
    %swap3A_147 = vector.shape_cast %broadcast_in_dim3A_143 : vector<16xf32> to vector<16xf32>
    tpu.vector_store %arg6[%swap3A_144], %swap3A_147 {strides = array<i32>} : memref<640xf32, #tpu.memory_space<vmem>>, vector<16xf32>,
    %broadcast_in_dim3A_148 = arith.constant 0.000000e+00 : f32
    %broadcast_in_dim3A_149 = vector.broadcast %broadcast_in_dim3A_148 : f32 to vector<16xf32>
    %swap3A_150 = arith.constant 272 : index
    %swap3A_151 = tpu.vector_load %arg6[%swap3A_150] {strides = array<i32>} : memref<640xf32, #tpu.memory_space<vmem>>, vector<16xf32>,
    %swap3A_152 = vector.shape_cast %swap3A_151 : vector<16xf32> to vector<16xf32>
    %swap3A_153 = vector.shape_cast %broadcast_in_dim3A_149 : vector<16xf32> to vector<16xf32>
    tpu.vector_store %arg6[%swap3A_150], %swap3A_153 {strides = array<i32>} : memref<640xf32, #tpu.memory_space<vmem>>, vector<16xf32>,
    %broadcast_in_dim3A_154 = arith.constant 0.000000e+00 : f32
    %broadcast_in_dim3A_155 = vector.broadcast %broadcast_in_dim3A_154 : f32 to vector<16xf32>
    %swap3A_156 = arith.constant 288 : index
    %swap3A_157 = tpu.vector_load %arg6[%swap3A_156] {strides = array<i32>} : memref<640xf32, #tpu.memory_space<vmem>>, vector<16xf32>,
    %swap3A_158 = vector.shape_cast %swap3A_157 : vector<16xf32> to vector<16xf32>
    %swap3A_159 = vector.shape_cast %broadcast_in_dim3A_155 : vector<16xf32> to vector<16xf32>
    tpu.vector_store %arg6[%swap3A_156], %swap3A_159 {strides = array<i32>} : memref<640xf32, #tpu.memory_space<vmem>>, vector<16xf32>,
    %broadcast_in_dim3A_160 = arith.constant 0.000000e+00 : f32
    %broadcast_in_dim3A_161 = vector.broadcast %broadcast_in_dim3A_160 : f32 to vector<16xf32>
    %swap3A_162 = arith.constant 304 : index
    %swap3A_163 = tpu.vector_load %arg6[%swap3A_162] {strides = array<i32>} : memref<640xf32, #tpu.memory_space<vmem>>, vector<16xf32>,
    %swap3A_164 = vector.shape_cast %swap3A_163 : vector<16xf32> to vector<16xf32>
    %swap3A_165 = vector.shape_cast %broadcast_in_dim3A_161 : vector<16xf32> to vector<16xf32>
    tpu.vector_store %arg6[%swap3A_162], %swap3A_165 {strides = array<i32>} : memref<640xf32, #tpu.memory_space<vmem>>, vector<16xf32>,
    %broadcast_in_dim3A_166 = arith.constant 0.000000e+00 : f32
    %broadcast_in_dim3A_167 = vector.broadcast %broadcast_in_dim3A_166 : f32 to vector<16xf32>
    %swap3A_168 = arith.constant 320 : index
    %swap3A_169 = tpu.vector_load %arg6[%swap3A_168] {strides = array<i32>} : memref<640xf32, #tpu.memory_space<vmem>>, vector<16xf32>,
    %swap3A_170 = vector.shape_cast %swap3A_169 : vector<16xf32> to vector<16xf32>
    %swap3A_171 = vector.shape_cast %broadcast_in_dim3A_167 : vector<16xf32> to vector<16xf32>
    tpu.vector_store %arg6[%swap3A_168], %swap3A_171 {strides = array<i32>} : memref<640xf32, #tpu.memory_space<vmem>>, vector<16xf32>,
    %broadcast_in_dim3A_172 = arith.constant 0.000000e+00 : f32
    %broadcast_in_dim3A_173 = vector.broadcast %broadcast_in_dim3A_172 : f32 to vector<16xf32>
    %swap3A_174 = arith.constant 336 : index
    %swap3A_175 = tpu.vector_load %arg6[%swap3A_174] {strides = array<i32>} : memref<640xf32, #tpu.memory_space<vmem>>, vector<16xf32>,
    %swap3A_176 = vector.shape_cast %swap3A_175 : vector<16xf32> to vector<16xf32>
    %swap3A_177 = vector.shape_cast %broadcast_in_dim3A_173 : vector<16xf32> to vector<16xf32>
    tpu.vector_store %arg6[%swap3A_174], %swap3A_177 {strides = array<i32>} : memref<640xf32, #tpu.memory_space<vmem>>, vector<16xf32>,
    %broadcast_in_dim3A_178 = arith.constant 0.000000e+00 : f32
    %broadcast_in_dim3A_179 = vector.broadcast %broadcast_in_dim3A_178 : f32 to vector<16xf32>
    %swap3A_180 = arith.constant 352 : index
    %swap3A_181 = tpu.vector_load %arg6[%swap3A_180] {strides = array<i32>} : memref<640xf32, #tpu.memory_space<vmem>>, vector<16xf32>,
    %swap3A_182 = vector.shape_cast %swap3A_181 : vector<16xf32> to vector<16xf32>
    %swap3A_183 = vector.shape_cast %broadcast_in_dim3A_179 : vector<16xf32> to vector<16xf32>
    tpu.vector_store %arg6[%swap3A_180], %swap3A_183 {strides = array<i32>} : memref<640xf32, #tpu.memory_space<vmem>>, vector<16xf32>,
    %broadcast_in_dim3A_184 = arith.constant 0.000000e+00 : f32
    %broadcast_in_dim3A_185 = vector.broadcast %broadcast_in_dim3A_184 : f32 to vector<16xf32>
    %swap3A_186 = arith.constant 368 : index
    %swap3A_187 = tpu.vector_load %arg6[%swap3A_186] {strides = array<i32>} : memref<640xf32, #tpu.memory_space<vmem>>, vector<16xf32>,
    %swap3A_188 = vector.shape_cast %swap3A_187 : vector<16xf32> to vector<16xf32>
    %swap3A_189 = vector.shape_cast %broadcast_in_dim3A_185 : vector<16xf32> to vector<16xf32>
    tpu.vector_store %arg6[%swap3A_186], %swap3A_189 {strides = array<i32>} : memref<640xf32, #tpu.memory_space<vmem>>, vector<16xf32>,
    %broadcast_in_dim3A_190 = arith.constant 0.000000e+00 : f32
    %broadcast_in_dim3A_191 = vector.broadcast %broadcast_in_dim3A_190 : f32 to vector<16xf32>
    %swap3A_192 = arith.constant 384 : index
    %swap3A_193 = tpu.vector_load %arg6[%swap3A_192] {strides = array<i32>} : memref<640xf32, #tpu.memory_space<vmem>>, vector<16xf32>,
    %swap3A_194 = vector.shape_cast %swap3A_193 : vector<16xf32> to vector<16xf32>
    %swap3A_195 = vector.shape_cast %broadcast_in_dim3A_191 : vector<16xf32> to vector<16xf32>
    tpu.vector_store %arg6[%swap3A_192], %swap3A_195 {strides = array<i32>} : memref<640xf32, #tpu.memory_space<vmem>>, vector<16xf32>,
    %broadcast_in_dim3A_196 = arith.constant 0.000000e+00 : f32
    %broadcast_in_dim3A_197 = vector.broadcast %broadcast_in_dim3A_196 : f32 to vector<16xf32>
    %swap3A_198 = arith.constant 400 : index
    %swap3A_199 = tpu.vector_load %arg6[%swap3A_198] {strides = array<i32>} : memref<640xf32, #tpu.memory_space<vmem>>, vector<16xf32>,
    %swap3A_200 = vector.shape_cast %swap3A_199 : vector<16xf32> to vector<16xf32>
    %swap3A_201 = vector.shape_cast %broadcast_in_dim3A_197 : vector<16xf32> to vector<16xf32>
    tpu.vector_store %arg6[%swap3A_198], %swap3A_201 {strides = array<i32>} : memref<640xf32, #tpu.memory_space<vmem>>, vector<16xf32>,
    %broadcast_in_dim3A_202 = arith.constant 0.000000e+00 : f32
    %broadcast_in_dim3A_203 = vector.broadcast %broadcast_in_dim3A_202 : f32 to vector<16xf32>
    %swap3A_204 = arith.constant 416 : index
    %swap3A_205 = tpu.vector_load %arg6[%swap3A_204] {strides = array<i32>} : memref<640xf32, #tpu.memory_space<vmem>>, vector<16xf32>,
    %swap3A_206 = vector.shape_cast %swap3A_205 : vector<16xf32> to vector<16xf32>
    %swap3A_207 = vector.shape_cast %broadcast_in_dim3A_203 : vector<16xf32> to vector<16xf32>
    tpu.vector_store %arg6[%swap3A_204], %swap3A_207 {strides = array<i32>} : memref<640xf32, #tpu.memory_space<vmem>>, vector<16xf32>,
    %broadcast_in_dim3A_208 = arith.constant 0.000000e+00 : f32
    %broadcast_in_dim3A_209 = vector.broadcast %broadcast_in_dim3A_208 : f32 to vector<16xf32>
    %swap3A_210 = arith.constant 432 : index
    %swap3A_211 = tpu.vector_load %arg6[%swap3A_210] {strides = array<i32>} : memref<640xf32, #tpu.memory_space<vmem>>, vector<16xf32>,
    %swap3A_212 = vector.shape_cast %swap3A_211 : vector<16xf32> to vector<16xf32>
    %swap3A_213 = vector.shape_cast %broadcast_in_dim3A_209 : vector<16xf32> to vector<16xf32>
    tpu.vector_store %arg6[%swap3A_210], %swap3A_213 {strides = array<i32>} : memref<640xf32, #tpu.memory_space<vmem>>, vector<16xf32>,
    %broadcast_in_dim3A_214 = arith.constant 0.000000e+00 : f32
    %broadcast_in_dim3A_215 = vector.broadcast %broadcast_in_dim3A_214 : f32 to vector<16xf32>
    %swap3A_216 = arith.constant 448 : index
    %swap3A_217 = tpu.vector_load %arg6[%swap3A_216] {strides = array<i32>} : memref<640xf32, #tpu.memory_space<vmem>>, vector<16xf32>,
    %swap3A_218 = vector.shape_cast %swap3A_217 : vector<16xf32> to vector<16xf32>
    %swap3A_219 = vector.shape_cast %broadcast_in_dim3A_215 : vector<16xf32> to vector<16xf32>
    tpu.vector_store %arg6[%swap3A_216], %swap3A_219 {strides = array<i32>} : memref<640xf32, #tpu.memory_space<vmem>>, vector<16xf32>,
    %broadcast_in_dim3A_220 = arith.constant 0.000000e+00 : f32
    %broadcast_in_dim3A_221 = vector.broadcast %broadcast_in_dim3A_220 : f32 to vector<16xf32>
    %swap3A_222 = arith.constant 464 : index
    %swap3A_223 = tpu.vector_load %arg6[%swap3A_222] {strides = array<i32>} : memref<640xf32, #tpu.memory_space<vmem>>, vector<16xf32>,
    %swap3A_224 = vector.shape_cast %swap3A_223 : vector<16xf32> to vector<16xf32>
    %swap3A_225 = vector.shape_cast %broadcast_in_dim3A_221 : vector<16xf32> to vector<16xf32>
    tpu.vector_store %arg6[%swap3A_222], %swap3A_225 {strides = array<i32>} : memref<640xf32, #tpu.memory_space<vmem>>, vector<16xf32>,
    %broadcast_in_dim3A_226 = arith.constant 0.000000e+00 : f32
    %broadcast_in_dim3A_227 = vector.broadcast %broadcast_in_dim3A_226 : f32 to vector<16xf32>
    %swap3A_228 = arith.constant 480 : index
    %swap3A_229 = tpu.vector_load %arg6[%swap3A_228] {strides = array<i32>} : memref<640xf32, #tpu.memory_space<vmem>>, vector<16xf32>,
    %swap3A_230 = vector.shape_cast %swap3A_229 : vector<16xf32> to vector<16xf32>
    %swap3A_231 = vector.shape_cast %broadcast_in_dim3A_227 : vector<16xf32> to vector<16xf32>
    tpu.vector_store %arg6[%swap3A_228], %swap3A_231 {strides = array<i32>} : memref<640xf32, #tpu.memory_space<vmem>>, vector<16xf32>,
    %broadcast_in_dim3A_232 = arith.constant 0.000000e+00 : f32
    %broadcast_in_dim3A_233 = vector.broadcast %broadcast_in_dim3A_232 : f32 to vector<16xf32>
    %swap3A_234 = arith.constant 496 : index
    %swap3A_235 = tpu.vector_load %arg6[%swap3A_234] {strides = array<i32>} : memref<640xf32, #tpu.memory_space<vmem>>, vector<16xf32>,
    %swap3A_236 = vector.shape_cast %swap3A_235 : vector<16xf32> to vector<16xf32>
    %swap3A_237 = vector.shape_cast %broadcast_in_dim3A_233 : vector<16xf32> to vector<16xf32>
    tpu.vector_store %arg6[%swap3A_234], %swap3A_237 {strides = array<i32>} : memref<640xf32, #tpu.memory_space<vmem>>, vector<16xf32>,
    %broadcast_in_dim3A_238 = arith.constant 0.000000e+00 : f32
    %broadcast_in_dim3A_239 = vector.broadcast %broadcast_in_dim3A_238 : f32 to vector<16xf32>
    %swap3A_240 = arith.constant 512 : index
    %swap3A_241 = tpu.vector_load %arg6[%swap3A_240] {strides = array<i32>} : memref<640xf32, #tpu.memory_space<vmem>>, vector<16xf32>,
    %swap3A_242 = vector.shape_cast %swap3A_241 : vector<16xf32> to vector<16xf32>
    %swap3A_243 = vector.shape_cast %broadcast_in_dim3A_239 : vector<16xf32> to vector<16xf32>
    tpu.vector_store %arg6[%swap3A_240], %swap3A_243 {strides = array<i32>} : memref<640xf32, #tpu.memory_space<vmem>>, vector<16xf32>,
    %broadcast_in_dim3A_244 = arith.constant 0.000000e+00 : f32
    %broadcast_in_dim3A_245 = vector.broadcast %broadcast_in_dim3A_244 : f32 to vector<16xf32>
    %swap3A_246 = arith.constant 528 : index
    %swap3A_247 = tpu.vector_load %arg6[%swap3A_246] {strides = array<i32>} : memref<640xf32, #tpu.memory_space<vmem>>, vector<16xf32>,
    %swap3A_248 = vector.shape_cast %swap3A_247 : vector<16xf32> to vector<16xf32>
    %swap3A_249 = vector.shape_cast %broadcast_in_dim3A_245 : vector<16xf32> to vector<16xf32>
    tpu.vector_store %arg6[%swap3A_246], %swap3A_249 {strides = array<i32>} : memref<640xf32, #tpu.memory_space<vmem>>, vector<16xf32>,
    %broadcast_in_dim3A_250 = arith.constant 0.000000e+00 : f32
    %broadcast_in_dim3A_251 = vector.broadcast %broadcast_in_dim3A_250 : f32 to vector<16xf32>
    %swap3A_252 = arith.constant 544 : index
    %swap3A_253 = tpu.vector_load %arg6[%swap3A_252] {strides = array<i32>} : memref<640xf32, #tpu.memory_space<vmem>>, vector<16xf32>,
    %swap3A_254 = vector.shape_cast %swap3A_253 : vector<16xf32> to vector<16xf32>
    %swap3A_255 = vector.shape_cast %broadcast_in_dim3A_251 : vector<16xf32> to vector<16xf32>
    tpu.vector_store %arg6[%swap3A_252], %swap3A_255 {strides = array<i32>} : memref<640xf32, #tpu.memory_space<vmem>>, vector<16xf32>,
    %broadcast_in_dim3A_256 = arith.constant 0.000000e+00 : f32
    %broadcast_in_dim3A_257 = vector.broadcast %broadcast_in_dim3A_256 : f32 to vector<16xf32>
    %swap3A_258 = arith.constant 560 : index
    %swap3A_259 = tpu.vector_load %arg6[%swap3A_258] {strides = array<i32>} : memref<640xf32, #tpu.memory_space<vmem>>, vector<16xf32>,
    %swap3A_260 = vector.shape_cast %swap3A_259 : vector<16xf32> to vector<16xf32>
    %swap3A_261 = vector.shape_cast %broadcast_in_dim3A_257 : vector<16xf32> to vector<16xf32>
    tpu.vector_store %arg6[%swap3A_258], %swap3A_261 {strides = array<i32>} : memref<640xf32, #tpu.memory_space<vmem>>, vector<16xf32>,
    %broadcast_in_dim3A_262 = arith.constant 0.000000e+00 : f32
    %broadcast_in_dim3A_263 = vector.broadcast %broadcast_in_dim3A_262 : f32 to vector<16xf32>
    %swap3A_264 = arith.constant 576 : index
    %swap3A_265 = tpu.vector_load %arg6[%swap3A_264] {strides = array<i32>} : memref<640xf32, #tpu.memory_space<vmem>>, vector<16xf32>,
    %swap3A_266 = vector.shape_cast %swap3A_265 : vector<16xf32> to vector<16xf32>
    %swap3A_267 = vector.shape_cast %broadcast_in_dim3A_263 : vector<16xf32> to vector<16xf32>
    tpu.vector_store %arg6[%swap3A_264], %swap3A_267 {strides = array<i32>} : memref<640xf32, #tpu.memory_space<vmem>>, vector<16xf32>,
    %broadcast_in_dim3A_268 = arith.constant 0.000000e+00 : f32
    %broadcast_in_dim3A_269 = vector.broadcast %broadcast_in_dim3A_268 : f32 to vector<16xf32>
    %swap3A_270 = arith.constant 592 : index
    %swap3A_271 = tpu.vector_load %arg6[%swap3A_270] {strides = array<i32>} : memref<640xf32, #tpu.memory_space<vmem>>, vector<16xf32>,
    %swap3A_272 = vector.shape_cast %swap3A_271 : vector<16xf32> to vector<16xf32>
    %swap3A_273 = vector.shape_cast %broadcast_in_dim3A_269 : vector<16xf32> to vector<16xf32>
    tpu.vector_store %arg6[%swap3A_270], %swap3A_273 {strides = array<i32>} : memref<640xf32, #tpu.memory_space<vmem>>, vector<16xf32>,
    %broadcast_in_dim3A_274 = arith.constant 0.000000e+00 : f32
    %broadcast_in_dim3A_275 = vector.broadcast %broadcast_in_dim3A_274 : f32 to vector<16xf32>
    %swap3A_276 = arith.constant 608 : index
    %swap3A_277 = tpu.vector_load %arg6[%swap3A_276] {strides = array<i32>} : memref<640xf32, #tpu.memory_space<vmem>>, vector<16xf32>,
    %swap3A_278 = vector.shape_cast %swap3A_277 : vector<16xf32> to vector<16xf32>
    %swap3A_279 = vector.shape_cast %broadcast_in_dim3A_275 : vector<16xf32> to vector<16xf32>
    tpu.vector_store %arg6[%swap3A_276], %swap3A_279 {strides = array<i32>} : memref<640xf32, #tpu.memory_space<vmem>>, vector<16xf32>,
    %broadcast_in_dim3A_280 = arith.constant 0.000000e+00 : f32
    %broadcast_in_dim3A_281 = vector.broadcast %broadcast_in_dim3A_280 : f32 to vector<16xf32>
    %swap3A_282 = arith.constant 624 : index
    %swap3A_283 = tpu.vector_load %arg6[%swap3A_282] {strides = array<i32>} : memref<640xf32, #tpu.memory_space<vmem>>, vector<16xf32>,
    %swap3A_284 = vector.shape_cast %swap3A_283 : vector<16xf32> to vector<16xf32>
    %swap3A_285 = vector.shape_cast %broadcast_in_dim3A_281 : vector<16xf32> to vector<16xf32>
    tpu.vector_store %arg6[%swap3A_282], %swap3A_285 {strides = array<i32>} : memref<640xf32, #tpu.memory_space<vmem>>, vector<16xf32>,
    %mul3A = arith.constant 640 : i32
    %mul3A_286 = arith.muli %arg1, %mul3A : i32
    "tpu.region"() ({
      %run_scoped3A = tpu.sem_alloc : memref<!tpu.dma_semaphore, #tpu.memory_space<semaphore_mem>>
      %dma_start3A = tpu.memref_slice %arg7[%mul3A_286] : memref<10240xf32, #tpu.memory_space<vmem_shared>> -> memref<640xf32, #tpu.memory_space<vmem_shared>>
      %dma_start3A_310 = tpu.memref_slice %arg7[%mul3A_286] : memref<10240xf32, #tpu.memory_space<vmem_shared>> -> memref<640xf32, #tpu.memory_space<vmem_shared>>
      tpu.enqueue_dma source(%arg6 : memref<640xf32, #tpu.memory_space<vmem>>) target(%dma_start3A_310 : memref<640xf32, #tpu.memory_space<vmem_shared>>) target_semaphore(%run_scoped3A : memref<!tpu.dma_semaphore, #tpu.memory_space<semaphore_mem>>)
      %dma_wait3A = tpu.memref_slice %arg7[%mul3A_286] : memref<10240xf32, #tpu.memory_space<vmem_shared>> -> memref<640xf32, #tpu.memory_space<vmem_shared>>
      %dma_wait3A_311 = tpu.memref_slice %arg7[%mul3A_286] : memref<10240xf32, #tpu.memory_space<vmem_shared>> -> memref<640xf32, #tpu.memory_space<vmem_shared>>
      tpu.wait_dma2 semaphore(%run_scoped3A : memref<!tpu.dma_semaphore, #tpu.memory_space<semaphore_mem>>) src(%arg6 : memref<640xf32, #tpu.memory_space<vmem>>) dst(%dma_wait3A_311 : memref<640xf32, #tpu.memory_space<vmem_shared>>)
      tpu.yield
    }) : () -> ()
    %lt3A = arith.constant 15 : i32
    %lt3A_287 = arith.cmpi slt, %arg1, %lt3A : i32
    %convert_element_type3A = arith.extui %lt3A_287 : i1 to i32
    %cond3A = arith.constant 0 : i32
    %cond3A_288 = arith.cmpi ne, %convert_element_type3A, %cond3A : i32
    scf.if %cond3A_288 {
      %mul3A_310 = arith.constant 160 : i32
      %mul3A_311 = arith.muli %arg1, %mul3A_310 : i32
      "tpu.region"() ({
        %run_scoped3A = tpu.sem_alloc : memref<!tpu.dma_semaphore, #tpu.memory_space<semaphore_mem>>
        %dma_start3A = arith.constant 0 : i32
        %dma_start3A_312 = tpu.memref_slice %arg2[%arg0, %mul3A_311, %dma_start3A] : memref<2x2500x128xi32, #tpu.memory_space<hbm>> -> memref<1x160x128xi32, #tpu.memory_space<hbm>>
        %dma_start3A_313 = tpu.memref_squeeze %dma_start3A_312 : memref<1x160x128xi32, #tpu.memory_space<hbm>> -> memref<160x128xi32, #tpu.memory_space<hbm>>
        %dma_start3A_314 = arith.constant 0 : i32
        %dma_start3A_315 = tpu.memref_slice %arg2[%arg0, %mul3A_311, %dma_start3A_314] : memref<2x2500x128xi32, #tpu.memory_space<hbm>> -> memref<1x160x128xi32, #tpu.memory_space<hbm>>
        %dma_start3A_316 = tpu.memref_squeeze %dma_start3A_315 : memref<1x160x128xi32, #tpu.memory_space<hbm>> -> memref<160x128xi32, #tpu.memory_space<hbm>>
        tpu.enqueue_dma source(%dma_start3A_316 : memref<160x128xi32, #tpu.memory_space<hbm>>) target(%arg4 : memref<160x128xi32, #tpu.memory_space<vmem>>) target_semaphore(%run_scoped3A : memref<!tpu.dma_semaphore, #tpu.memory_space<semaphore_mem>>)
        %dma_wait3A = arith.constant 0 : i32
        %dma_wait3A_317 = tpu.memref_slice %arg2[%arg0, %mul3A_311, %dma_wait3A] : memref<2x2500x128xi32, #tpu.memory_space<hbm>> -> memref<1x160x128xi32, #tpu.memory_space<hbm>>
        %dma_wait3A_318 = tpu.memref_squeeze %dma_wait3A_317 : memref<1x160x128xi32, #tpu.memory_space<hbm>> -> memref<160x128xi32, #tpu.memory_space<hbm>>
        %dma_wait3A_319 = arith.constant 0 : i32
        %dma_wait3A_320 = tpu.memref_slice %arg2[%arg0, %mul3A_311, %dma_wait3A_319] : memref<2x2500x128xi32, #tpu.memory_space<hbm>> -> memref<1x160x128xi32, #tpu.memory_space<hbm>>
        %dma_wait3A_321 = tpu.memref_squeeze %dma_wait3A_320 : memref<1x160x128xi32, #tpu.memory_space<hbm>> -> memref<160x128xi32, #tpu.memory_space<hbm>>
        tpu.wait_dma2 semaphore(%run_scoped3A : memref<!tpu.dma_semaphore, #tpu.memory_space<semaphore_mem>>) src(%dma_wait3A_321 : memref<160x128xi32, #tpu.memory_space<hbm>>) dst(%arg4 : memref<160x128xi32, #tpu.memory_space<vmem>>)
        tpu.yield
      }) : () -> ()
    } else {
    }
    %eq3A = arith.constant 15 : i32
    %eq3A_289 = arith.cmpi eq, %arg1, %eq3A : i32
    %convert_element_type3A_290 = arith.extui %eq3A_289 : i1 to i32
    %cond3A_291 = arith.constant 0 : i32
    %cond3A_292 = arith.cmpi ne, %convert_element_type3A_290, %cond3A_291 : i32
    scf.if %cond3A_292 {
      "tpu.region"() ({
        %run_scoped3A = tpu.sem_alloc : memref<!tpu.dma_semaphore, #tpu.memory_space<semaphore_mem>>
        %dma_start3A = arith.constant 0 : i32
        %dma_start3A_310 = arith.constant 0 : i32
        %dma_start3A_311 = tpu.memref_slice %arg4[%dma_start3A, %dma_start3A_310] : memref<160x128xi32, #tpu.memory_space<vmem>> -> memref<100x128xi32, #tpu.memory_space<vmem>>
        %dma_start3A_312 = arith.constant 2400 : i32
        %dma_start3A_313 = arith.constant 0 : i32
        %dma_start3A_314 = tpu.memref_slice %arg2[%arg0, %dma_start3A_312, %dma_start3A_313] : memref<2x2500x128xi32, #tpu.memory_space<hbm>> -> memref<1x100x128xi32, #tpu.memory_space<hbm>>
        %dma_start3A_315 = tpu.memref_squeeze %dma_start3A_314 : memref<1x100x128xi32, #tpu.memory_space<hbm>> -> memref<100x128xi32, #tpu.memory_space<hbm>>
        %dma_start3A_316 = arith.constant 0 : i32
        %dma_start3A_317 = arith.constant 0 : i32
        %dma_start3A_318 = tpu.memref_slice %arg4[%dma_start3A_316, %dma_start3A_317] : memref<160x128xi32, #tpu.memory_space<vmem>> -> memref<100x128xi32, #tpu.memory_space<vmem>>
        %dma_start3A_319 = arith.constant 2400 : i32
        %dma_start3A_320 = arith.constant 0 : i32
        %dma_start3A_321 = tpu.memref_slice %arg2[%arg0, %dma_start3A_319, %dma_start3A_320] : memref<2x2500x128xi32, #tpu.memory_space<hbm>> -> memref<1x100x128xi32, #tpu.memory_space<hbm>>
        %dma_start3A_322 = tpu.memref_squeeze %dma_start3A_321 : memref<1x100x128xi32, #tpu.memory_space<hbm>> -> memref<100x128xi32, #tpu.memory_space<hbm>>
        tpu.enqueue_dma source(%dma_start3A_322 : memref<100x128xi32, #tpu.memory_space<hbm>>) target(%dma_start3A_318 : memref<100x128xi32, #tpu.memory_space<vmem>>) target_semaphore(%run_scoped3A : memref<!tpu.dma_semaphore, #tpu.memory_space<semaphore_mem>>)
        %dma_wait3A = arith.constant 0 : i32
        %dma_wait3A_323 = arith.constant 0 : i32
        %dma_wait3A_324 = tpu.memref_slice %arg4[%dma_wait3A, %dma_wait3A_323] : memref<160x128xi32, #tpu.memory_space<vmem>> -> memref<100x128xi32, #tpu.memory_space<vmem>>
        %dma_wait3A_325 = arith.constant 2400 : i32
        %dma_wait3A_326 = arith.constant 0 : i32
        %dma_wait3A_327 = tpu.memref_slice %arg2[%arg0, %dma_wait3A_325, %dma_wait3A_326] : memref<2x2500x128xi32, #tpu.memory_space<hbm>> -> memref<1x100x128xi32, #tpu.memory_space<hbm>>
        %dma_wait3A_328 = tpu.memref_squeeze %dma_wait3A_327 : memref<1x100x128xi32, #tpu.memory_space<hbm>> -> memref<100x128xi32, #tpu.memory_space<hbm>>
        %dma_wait3A_329 = arith.constant 0 : i32
        %dma_wait3A_330 = arith.constant 0 : i32
        %dma_wait3A_331 = tpu.memref_slice %arg4[%dma_wait3A_329, %dma_wait3A_330] : memref<160x128xi32, #tpu.memory_space<vmem>> -> memref<100x128xi32, #tpu.memory_space<vmem>>
        %dma_wait3A_332 = arith.constant 2400 : i32
        %dma_wait3A_333 = arith.constant 0 : i32
        %dma_wait3A_334 = tpu.memref_slice %arg2[%arg0, %dma_wait3A_332, %dma_wait3A_333] : memref<2x2500x128xi32, #tpu.memory_space<hbm>> -> memref<1x100x128xi32, #tpu.memory_space<hbm>>
        %dma_wait3A_335 = tpu.memref_squeeze %dma_wait3A_334 : memref<1x100x128xi32, #tpu.memory_space<hbm>> -> memref<100x128xi32, #tpu.memory_space<hbm>>
        tpu.wait_dma2 semaphore(%run_scoped3A : memref<!tpu.dma_semaphore, #tpu.memory_space<semaphore_mem>>) src(%dma_wait3A_335 : memref<100x128xi32, #tpu.memory_space<hbm>>) dst(%dma_wait3A_331 : memref<100x128xi32, #tpu.memory_space<vmem>>)
        tpu.yield
      }) : () -> ()
    } else {
    }
    %barrier3A = arith.constant 0 : index
    tpu.barrier barrier_id(%barrier3A)
    %eq3A_293 = arith.constant 15 : i32
    %eq3A_294 = arith.cmpi eq, %arg1, %eq3A_293 : i32
    %jit3A = arith.constant 10 : i32
    %jit3A_295 = arith.constant 16 : i32
    %select_n3A = arith.select %eq3A_294, %jit3A, %jit3A_295 : i32
    %while3A = arith.constant 0 : i32
    %while3A_296 = arith.constant 0 : i32
    %while3A_297 = arith.subi %select_n3A, %while3A_296 : i32
    %while3A_298 = arith.addi %while3A_296, %while3A_297 : i32
    %while3A_299 = arith.constant 1 : i32
    %while3A_300 = arith.divsi %while3A_297, %while3A_299 : i32
    %while3A_301 = arith.muli %while3A_300, %while3A_299 : i32
    %while3A_302 = arith.addi %while3A_296, %while3A_301 : i32
    %while3A_303 = arith.constant 1 : i32
    scf.for %while3A_310 = %while3A_296 to %while3A_302 step %while3A_303  : i32 {
      %mul3A_311 = arith.constant 10 : i32
      %mul3A_312 = arith.muli %while3A_310, %mul3A_311 : i32
      %add3A = arith.constant 0 : i32
      %add3A_313 = arith.addi %mul3A_312, %add3A : i32
      %dma_start3A = arith.constant 0 : i32
      %dma_start3A_314 = tpu.memref_slice %arg4[%add3A_313, %dma_start3A] : memref<160x128xi32, #tpu.memory_space<vmem>> -> memref<1x128xi32, #tpu.memory_space<vmem>>
      %dma_start3A_315 = tpu.memref_squeeze %dma_start3A_314 : memref<1x128xi32, #tpu.memory_space<vmem>> -> memref<128xi32, #tpu.memory_space<vmem>>
      %dma_start3A_316 = arith.constant 0 : i32
      %dma_start3A_317 = tpu.memref_slice %arg7[%dma_start3A_316] : memref<10240xf32, #tpu.memory_space<vmem_shared>> -> memref<10240xf32, #tpu.memory_space<vmem_shared>>
      tpu.enqueue_indirect_dma source(%arg5 : memref<128xf32, #tpu.memory_space<vmem>>) target(%dma_start3A_317 : memref<10240xf32, #tpu.memory_space<vmem_shared>>) offsets(%dma_start3A_315 : memref<128xi32, #tpu.memory_space<vmem>>) semaphore(%arg8 : memref<!tpu.dma_semaphore, #tpu.memory_space<semaphore_mem>>) {add = true}
      %mul3A_318 = arith.constant 10 : i32
      %mul3A_319 = arith.muli %while3A_310, %mul3A_318 : i32
      %add3A_320 = arith.constant 1 : i32
      %add3A_321 = arith.addi %mul3A_319, %add3A_320 : i32
      %dma_start3A_322 = arith.constant 0 : i32
      %dma_start3A_323 = tpu.memref_slice %arg4[%add3A_321, %dma_start3A_322] : memref<160x128xi32, #tpu.memory_space<vmem>> -> memref<1x128xi32, #tpu.memory_space<vmem>>
      %dma_start3A_324 = tpu.memref_squeeze %dma_start3A_323 : memref<1x128xi32, #tpu.memory_space<vmem>> -> memref<128xi32, #tpu.memory_space<vmem>>
      %dma_start3A_325 = arith.constant 0 : i32
      %dma_start3A_326 = tpu.memref_slice %arg7[%dma_start3A_325] : memref<10240xf32, #tpu.memory_space<vmem_shared>> -> memref<10240xf32, #tpu.memory_space<vmem_shared>>
      tpu.enqueue_indirect_dma source(%arg5 : memref<128xf32, #tpu.memory_space<vmem>>) target(%dma_start3A_326 : memref<10240xf32, #tpu.memory_space<vmem_shared>>) offsets(%dma_start3A_324 : memref<128xi32, #tpu.memory_space<vmem>>) semaphore(%arg8 : memref<!tpu.dma_semaphore, #tpu.memory_space<semaphore_mem>>) {add = true}
      %mul3A_327 = arith.constant 10 : i32
      %mul3A_328 = arith.muli %while3A_310, %mul3A_327 : i32
      %add3A_329 = arith.constant 2 : i32
      %add3A_330 = arith.addi %mul3A_328, %add3A_329 : i32
      %dma_start3A_331 = arith.constant 0 : i32
      %dma_start3A_332 = tpu.memref_slice %arg4[%add3A_330, %dma_start3A_331] : memref<160x128xi32, #tpu.memory_space<vmem>> -> memref<1x128xi32, #tpu.memory_space<vmem>>
      %dma_start3A_333 = tpu.memref_squeeze %dma_start3A_332 : memref<1x128xi32, #tpu.memory_space<vmem>> -> memref<128xi32, #tpu.memory_space<vmem>>
      %dma_start3A_334 = arith.constant 0 : i32
      %dma_start3A_335 = tpu.memref_slice %arg7[%dma_start3A_334] : memref<10240xf32, #tpu.memory_space<vmem_shared>> -> memref<10240xf32, #tpu.memory_space<vmem_shared>>
      tpu.enqueue_indirect_dma source(%arg5 : memref<128xf32, #tpu.memory_space<vmem>>) target(%dma_start3A_335 : memref<10240xf32, #tpu.memory_space<vmem_shared>>) offsets(%dma_start3A_333 : memref<128xi32, #tpu.memory_space<vmem>>) semaphore(%arg8 : memref<!tpu.dma_semaphore, #tpu.memory_space<semaphore_mem>>) {add = true}
      %mul3A_336 = arith.constant 10 : i32
      %mul3A_337 = arith.muli %while3A_310, %mul3A_336 : i32
      %add3A_338 = arith.constant 3 : i32
      %add3A_339 = arith.addi %mul3A_337, %add3A_338 : i32
      %dma_start3A_340 = arith.constant 0 : i32
      %dma_start3A_341 = tpu.memref_slice %arg4[%add3A_339, %dma_start3A_340] : memref<160x128xi32, #tpu.memory_space<vmem>> -> memref<1x128xi32, #tpu.memory_space<vmem>>
      %dma_start3A_342 = tpu.memref_squeeze %dma_start3A_341 : memref<1x128xi32, #tpu.memory_space<vmem>> -> memref<128xi32, #tpu.memory_space<vmem>>
      %dma_start3A_343 = arith.constant 0 : i32
      %dma_start3A_344 = tpu.memref_slice %arg7[%dma_start3A_343] : memref<10240xf32, #tpu.memory_space<vmem_shared>> -> memref<10240xf32, #tpu.memory_space<vmem_shared>>
      tpu.enqueue_indirect_dma source(%arg5 : memref<128xf32, #tpu.memory_space<vmem>>) target(%dma_start3A_344 : memref<10240xf32, #tpu.memory_space<vmem_shared>>) offsets(%dma_start3A_342 : memref<128xi32, #tpu.memory_space<vmem>>) semaphore(%arg8 : memref<!tpu.dma_semaphore, #tpu.memory_space<semaphore_mem>>) {add = true}
      %mul3A_345 = arith.constant 10 : i32
      %mul3A_346 = arith.muli %while3A_310, %mul3A_345 : i32
      %add3A_347 = arith.constant 4 : i32
      %add3A_348 = arith.addi %mul3A_346, %add3A_347 : i32
      %dma_start3A_349 = arith.constant 0 : i32
      %dma_start3A_350 = tpu.memref_slice %arg4[%add3A_348, %dma_start3A_349] : memref<160x128xi32, #tpu.memory_space<vmem>> -> memref<1x128xi32, #tpu.memory_space<vmem>>
      %dma_start3A_351 = tpu.memref_squeeze %dma_start3A_350 : memref<1x128xi32, #tpu.memory_space<vmem>> -> memref<128xi32, #tpu.memory_space<vmem>>
      %dma_start3A_352 = arith.constant 0 : i32
      %dma_start3A_353 = tpu.memref_slice %arg7[%dma_start3A_352] : memref<10240xf32, #tpu.memory_space<vmem_shared>> -> memref<10240xf32, #tpu.memory_space<vmem_shared>>
      tpu.enqueue_indirect_dma source(%arg5 : memref<128xf32, #tpu.memory_space<vmem>>) target(%dma_start3A_353 : memref<10240xf32, #tpu.memory_space<vmem_shared>>) offsets(%dma_start3A_351 : memref<128xi32, #tpu.memory_space<vmem>>) semaphore(%arg8 : memref<!tpu.dma_semaphore, #tpu.memory_space<semaphore_mem>>) {add = true}
      %mul3A_354 = arith.constant 10 : i32
      %mul3A_355 = arith.muli %while3A_310, %mul3A_354 : i32
      %add3A_356 = arith.constant 5 : i32
      %add3A_357 = arith.addi %mul3A_355, %add3A_356 : i32
      %dma_start3A_358 = arith.constant 0 : i32
      %dma_start3A_359 = tpu.memref_slice %arg4[%add3A_357, %dma_start3A_358] : memref<160x128xi32, #tpu.memory_space<vmem>> -> memref<1x128xi32, #tpu.memory_space<vmem>>
      %dma_start3A_360 = tpu.memref_squeeze %dma_start3A_359 : memref<1x128xi32, #tpu.memory_space<vmem>> -> memref<128xi32, #tpu.memory_space<vmem>>
      %dma_start3A_361 = arith.constant 0 : i32
      %dma_start3A_362 = tpu.memref_slice %arg7[%dma_start3A_361] : memref<10240xf32, #tpu.memory_space<vmem_shared>> -> memref<10240xf32, #tpu.memory_space<vmem_shared>>
      tpu.enqueue_indirect_dma source(%arg5 : memref<128xf32, #tpu.memory_space<vmem>>) target(%dma_start3A_362 : memref<10240xf32, #tpu.memory_space<vmem_shared>>) offsets(%dma_start3A_360 : memref<128xi32, #tpu.memory_space<vmem>>) semaphore(%arg8 : memref<!tpu.dma_semaphore, #tpu.memory_space<semaphore_mem>>) {add = true}
      %mul3A_363 = arith.constant 10 : i32
      %mul3A_364 = arith.muli %while3A_310, %mul3A_363 : i32
      %add3A_365 = arith.constant 6 : i32
      %add3A_366 = arith.addi %mul3A_364, %add3A_365 : i32
      %dma_start3A_367 = arith.constant 0 : i32
      %dma_start3A_368 = tpu.memref_slice %arg4[%add3A_366, %dma_start3A_367] : memref<160x128xi32, #tpu.memory_space<vmem>> -> memref<1x128xi32, #tpu.memory_space<vmem>>
      %dma_start3A_369 = tpu.memref_squeeze %dma_start3A_368 : memref<1x128xi32, #tpu.memory_space<vmem>> -> memref<128xi32, #tpu.memory_space<vmem>>
      %dma_start3A_370 = arith.constant 0 : i32
      %dma_start3A_371 = tpu.memref_slice %arg7[%dma_start3A_370] : memref<10240xf32, #tpu.memory_space<vmem_shared>> -> memref<10240xf32, #tpu.memory_space<vmem_shared>>
      tpu.enqueue_indirect_dma source(%arg5 : memref<128xf32, #tpu.memory_space<vmem>>) target(%dma_start3A_371 : memref<10240xf32, #tpu.memory_space<vmem_shared>>) offsets(%dma_start3A_369 : memref<128xi32, #tpu.memory_space<vmem>>) semaphore(%arg8 : memref<!tpu.dma_semaphore, #tpu.memory_space<semaphore_mem>>) {add = true}
      %mul3A_372 = arith.constant 10 : i32
      %mul3A_373 = arith.muli %while3A_310, %mul3A_372 : i32
      %add3A_374 = arith.constant 7 : i32
      %add3A_375 = arith.addi %mul3A_373, %add3A_374 : i32
      %dma_start3A_376 = arith.constant 0 : i32
      %dma_start3A_377 = tpu.memref_slice %arg4[%add3A_375, %dma_start3A_376] : memref<160x128xi32, #tpu.memory_space<vmem>> -> memref<1x128xi32, #tpu.memory_space<vmem>>
      %dma_start3A_378 = tpu.memref_squeeze %dma_start3A_377 : memref<1x128xi32, #tpu.memory_space<vmem>> -> memref<128xi32, #tpu.memory_space<vmem>>
      %dma_start3A_379 = arith.constant 0 : i32
      %dma_start3A_380 = tpu.memref_slice %arg7[%dma_start3A_379] : memref<10240xf32, #tpu.memory_space<vmem_shared>> -> memref<10240xf32, #tpu.memory_space<vmem_shared>>
      tpu.enqueue_indirect_dma source(%arg5 : memref<128xf32, #tpu.memory_space<vmem>>) target(%dma_start3A_380 : memref<10240xf32, #tpu.memory_space<vmem_shared>>) offsets(%dma_start3A_378 : memref<128xi32, #tpu.memory_space<vmem>>) semaphore(%arg8 : memref<!tpu.dma_semaphore, #tpu.memory_space<semaphore_mem>>) {add = true}
      %mul3A_381 = arith.constant 10 : i32
      %mul3A_382 = arith.muli %while3A_310, %mul3A_381 : i32
      %add3A_383 = arith.constant 8 : i32
      %add3A_384 = arith.addi %mul3A_382, %add3A_383 : i32
      %dma_start3A_385 = arith.constant 0 : i32
      %dma_start3A_386 = tpu.memref_slice %arg4[%add3A_384, %dma_start3A_385] : memref<160x128xi32, #tpu.memory_space<vmem>> -> memref<1x128xi32, #tpu.memory_space<vmem>>
      %dma_start3A_387 = tpu.memref_squeeze %dma_start3A_386 : memref<1x128xi32, #tpu.memory_space<vmem>> -> memref<128xi32, #tpu.memory_space<vmem>>
      %dma_start3A_388 = arith.constant 0 : i32
      %dma_start3A_389 = tpu.memref_slice %arg7[%dma_start3A_388] : memref<10240xf32, #tpu.memory_space<vmem_shared>> -> memref<10240xf32, #tpu.memory_space<vmem_shared>>
      tpu.enqueue_indirect_dma source(%arg5 : memref<128xf32, #tpu.memory_space<vmem>>) target(%dma_start3A_389 : memref<10240xf32, #tpu.memory_space<vmem_shared>>) offsets(%dma_start3A_387 : memref<128xi32, #tpu.memory_space<vmem>>) semaphore(%arg8 : memref<!tpu.dma_semaphore, #tpu.memory_space<semaphore_mem>>) {add = true}
      %mul3A_390 = arith.constant 10 : i32
      %mul3A_391 = arith.muli %while3A_310, %mul3A_390 : i32
      %add3A_392 = arith.constant 9 : i32
      %add3A_393 = arith.addi %mul3A_391, %add3A_392 : i32
      %dma_start3A_394 = arith.constant 0 : i32
      %dma_start3A_395 = tpu.memref_slice %arg4[%add3A_393, %dma_start3A_394] : memref<160x128xi32, #tpu.memory_space<vmem>> -> memref<1x128xi32, #tpu.memory_space<vmem>>
      %dma_start3A_396 = tpu.memref_squeeze %dma_start3A_395 : memref<1x128xi32, #tpu.memory_space<vmem>> -> memref<128xi32, #tpu.memory_space<vmem>>
      %dma_start3A_397 = arith.constant 0 : i32
      %dma_start3A_398 = tpu.memref_slice %arg7[%dma_start3A_397] : memref<10240xf32, #tpu.memory_space<vmem_shared>> -> memref<10240xf32, #tpu.memory_space<vmem_shared>>
      tpu.enqueue_indirect_dma source(%arg5 : memref<128xf32, #tpu.memory_space<vmem>>) target(%dma_start3A_398 : memref<10240xf32, #tpu.memory_space<vmem_shared>>) offsets(%dma_start3A_396 : memref<128xi32, #tpu.memory_space<vmem>>) semaphore(%arg8 : memref<!tpu.dma_semaphore, #tpu.memory_space<semaphore_mem>>) {add = true}
      %dma_wait3A = arith.constant 0 : i32
      %dma_wait3A_399 = tpu.memref_slice %arg7[%dma_wait3A] : memref<10240xf32, #tpu.memory_space<vmem_shared>> -> memref<128xf32, #tpu.memory_space<vmem_shared>>
      %dma_wait3A_400 = arith.constant 0 : i32
      %dma_wait3A_401 = tpu.memref_slice %arg7[%dma_wait3A_400] : memref<10240xf32, #tpu.memory_space<vmem_shared>> -> memref<128xf32, #tpu.memory_space<vmem_shared>>
      tpu.wait_dma2 semaphore(%arg8 : memref<!tpu.dma_semaphore, #tpu.memory_space<semaphore_mem>>) src(%arg5 : memref<128xf32, #tpu.memory_space<vmem>>) dst(%dma_wait3A_401 : memref<128xf32, #tpu.memory_space<vmem_shared>>)
      %dma_wait3A_402 = arith.constant 0 : i32
      %dma_wait3A_403 = tpu.memref_slice %arg7[%dma_wait3A_402] : memref<10240xf32, #tpu.memory_space<vmem_shared>> -> memref<128xf32, #tpu.memory_space<vmem_shared>>
      %dma_wait3A_404 = arith.constant 0 : i32
      %dma_wait3A_405 = tpu.memref_slice %arg7[%dma_wait3A_404] : memref<10240xf32, #tpu.memory_space<vmem_shared>> -> memref<128xf32, #tpu.memory_space<vmem_shared>>
      tpu.wait_dma2 semaphore(%arg8 : memref<!tpu.dma_semaphore, #tpu.memory_space<semaphore_mem>>) src(%arg5 : memref<128xf32, #tpu.memory_space<vmem>>) dst(%dma_wait3A_405 : memref<128xf32, #tpu.memory_space<vmem_shared>>)
      %dma_wait3A_406 = arith.constant 0 : i32
      %dma_wait3A_407 = tpu.memref_slice %arg7[%dma_wait3A_406] : memref<10240xf32, #tpu.memory_space<vmem_shared>> -> memref<128xf32, #tpu.memory_space<vmem_shared>>
      %dma_wait3A_408 = arith.constant 0 : i32
      %dma_wait3A_409 = tpu.memref_slice %arg7[%dma_wait3A_408] : memref<10240xf32, #tpu.memory_space<vmem_shared>> -> memref<128xf32, #tpu.memory_space<vmem_shared>>
      tpu.wait_dma2 semaphore(%arg8 : memref<!tpu.dma_semaphore, #tpu.memory_space<semaphore_mem>>) src(%arg5 : memref<128xf32, #tpu.memory_space<vmem>>) dst(%dma_wait3A_409 : memref<128xf32, #tpu.memory_space<vmem_shared>>)
      %dma_wait3A_410 = arith.constant 0 : i32
      %dma_wait3A_411 = tpu.memref_slice %arg7[%dma_wait3A_410] : memref<10240xf32, #tpu.memory_space<vmem_shared>> -> memref<128xf32, #tpu.memory_space<vmem_shared>>
      %dma_wait3A_412 = arith.constant 0 : i32
      %dma_wait3A_413 = tpu.memref_slice %arg7[%dma_wait3A_412] : memref<10240xf32, #tpu.memory_space<vmem_shared>> -> memref<128xf32, #tpu.memory_space<vmem_shared>>
      tpu.wait_dma2 semaphore(%arg8 : memref<!tpu.dma_semaphore, #tpu.memory_space<semaphore_mem>>) src(%arg5 : memref<128xf32, #tpu.memory_space<vmem>>) dst(%dma_wait3A_413 : memref<128xf32, #tpu.memory_space<vmem_shared>>)
      %dma_wait3A_414 = arith.constant 0 : i32
      %dma_wait3A_415 = tpu.memref_slice %arg7[%dma_wait3A_414] : memref<10240xf32, #tpu.memory_space<vmem_shared>> -> memref<128xf32, #tpu.memory_space<vmem_shared>>
      %dma_wait3A_416 = arith.constant 0 : i32
      %dma_wait3A_417 = tpu.memref_slice %arg7[%dma_wait3A_416] : memref<10240xf32, #tpu.memory_space<vmem_shared>> -> memref<128xf32, #tpu.memory_space<vmem_shared>>
      tpu.wait_dma2 semaphore(%arg8 : memref<!tpu.dma_semaphore, #tpu.memory_space<semaphore_mem>>) src(%arg5 : memref<128xf32, #tpu.memory_space<vmem>>) dst(%dma_wait3A_417 : memref<128xf32, #tpu.memory_space<vmem_shared>>)
      %dma_wait3A_418 = arith.constant 0 : i32
      %dma_wait3A_419 = tpu.memref_slice %arg7[%dma_wait3A_418] : memref<10240xf32, #tpu.memory_space<vmem_shared>> -> memref<128xf32, #tpu.memory_space<vmem_shared>>
      %dma_wait3A_420 = arith.constant 0 : i32
      %dma_wait3A_421 = tpu.memref_slice %arg7[%dma_wait3A_420] : memref<10240xf32, #tpu.memory_space<vmem_shared>> -> memref<128xf32, #tpu.memory_space<vmem_shared>>
      tpu.wait_dma2 semaphore(%arg8 : memref<!tpu.dma_semaphore, #tpu.memory_space<semaphore_mem>>) src(%arg5 : memref<128xf32, #tpu.memory_space<vmem>>) dst(%dma_wait3A_421 : memref<128xf32, #tpu.memory_space<vmem_shared>>)
      %dma_wait3A_422 = arith.constant 0 : i32
      %dma_wait3A_423 = tpu.memref_slice %arg7[%dma_wait3A_422] : memref<10240xf32, #tpu.memory_space<vmem_shared>> -> memref<128xf32, #tpu.memory_space<vmem_shared>>
      %dma_wait3A_424 = arith.constant 0 : i32
      %dma_wait3A_425 = tpu.memref_slice %arg7[%dma_wait3A_424] : memref<10240xf32, #tpu.memory_space<vmem_shared>> -> memref<128xf32, #tpu.memory_space<vmem_shared>>
      tpu.wait_dma2 semaphore(%arg8 : memref<!tpu.dma_semaphore, #tpu.memory_space<semaphore_mem>>) src(%arg5 : memref<128xf32, #tpu.memory_space<vmem>>) dst(%dma_wait3A_425 : memref<128xf32, #tpu.memory_space<vmem_shared>>)
      %dma_wait3A_426 = arith.constant 0 : i32
      %dma_wait3A_427 = tpu.memref_slice %arg7[%dma_wait3A_426] : memref<10240xf32, #tpu.memory_space<vmem_shared>> -> memref<128xf32, #tpu.memory_space<vmem_shared>>
      %dma_wait3A_428 = arith.constant 0 : i32
      %dma_wait3A_429 = tpu.memref_slice %arg7[%dma_wait3A_428] : memref<10240xf32, #tpu.memory_space<vmem_shared>> -> memref<128xf32, #tpu.memory_space<vmem_shared>>
      tpu.wait_dma2 semaphore(%arg8 : memref<!tpu.dma_semaphore, #tpu.memory_space<semaphore_mem>>) src(%arg5 : memref<128xf32, #tpu.memory_space<vmem>>) dst(%dma_wait3A_429 : memref<128xf32, #tpu.memory_space<vmem_shared>>)
      %dma_wait3A_430 = arith.constant 0 : i32
      %dma_wait3A_431 = tpu.memref_slice %arg7[%dma_wait3A_430] : memref<10240xf32, #tpu.memory_space<vmem_shared>> -> memref<128xf32, #tpu.memory_space<vmem_shared>>
      %dma_wait3A_432 = arith.constant 0 : i32
      %dma_wait3A_433 = tpu.memref_slice %arg7[%dma_wait3A_432] : memref<10240xf32, #tpu.memory_space<vmem_shared>> -> memref<128xf32, #tpu.memory_space<vmem_shared>>
      tpu.wait_dma2 semaphore(%arg8 : memref<!tpu.dma_semaphore, #tpu.memory_space<semaphore_mem>>) src(%arg5 : memref<128xf32, #tpu.memory_space<vmem>>) dst(%dma_wait3A_433 : memref<128xf32, #tpu.memory_space<vmem_shared>>)
      %dma_wait3A_434 = arith.constant 0 : i32
      %dma_wait3A_435 = tpu.memref_slice %arg7[%dma_wait3A_434] : memref<10240xf32, #tpu.memory_space<vmem_shared>> -> memref<128xf32, #tpu.memory_space<vmem_shared>>
      %dma_wait3A_436 = arith.constant 0 : i32
      %dma_wait3A_437 = tpu.memref_slice %arg7[%dma_wait3A_436] : memref<10240xf32, #tpu.memory_space<vmem_shared>> -> memref<128xf32, #tpu.memory_space<vmem_shared>>
      tpu.wait_dma2 semaphore(%arg8 : memref<!tpu.dma_semaphore, #tpu.memory_space<semaphore_mem>>) src(%arg5 : memref<128xf32, #tpu.memory_space<vmem>>) dst(%dma_wait3A_437 : memref<128xf32, #tpu.memory_space<vmem_shared>>)
    }
    %while3A_304 = arith.constant 1 : i32
    scf.for %while3A_310 = %while3A_302 to %while3A_298 step %while3A_304  : i32 {
      %mul3A_311 = arith.constant 10 : i32
      %mul3A_312 = arith.muli %while3A_310, %mul3A_311 : i32
      %add3A = arith.constant 0 : i32
      %add3A_313 = arith.addi %mul3A_312, %add3A : i32
      %dma_start3A = arith.constant 0 : i32
      %dma_start3A_314 = tpu.memref_slice %arg4[%add3A_313, %dma_start3A] : memref<160x128xi32, #tpu.memory_space<vmem>> -> memref<1x128xi32, #tpu.memory_space<vmem>>
      %dma_start3A_315 = tpu.memref_squeeze %dma_start3A_314 : memref<1x128xi32, #tpu.memory_space<vmem>> -> memref<128xi32, #tpu.memory_space<vmem>>
      %dma_start3A_316 = arith.constant 0 : i32
      %dma_start3A_317 = tpu.memref_slice %arg7[%dma_start3A_316] : memref<10240xf32, #tpu.memory_space<vmem_shared>> -> memref<10240xf32, #tpu.memory_space<vmem_shared>>
      tpu.enqueue_indirect_dma source(%arg5 : memref<128xf32, #tpu.memory_space<vmem>>) target(%dma_start3A_317 : memref<10240xf32, #tpu.memory_space<vmem_shared>>) offsets(%dma_start3A_315 : memref<128xi32, #tpu.memory_space<vmem>>) semaphore(%arg8 : memref<!tpu.dma_semaphore, #tpu.memory_space<semaphore_mem>>) {add = true}
      %mul3A_318 = arith.constant 10 : i32
      %mul3A_319 = arith.muli %while3A_310, %mul3A_318 : i32
      %add3A_320 = arith.constant 1 : i32
      %add3A_321 = arith.addi %mul3A_319, %add3A_320 : i32
      %dma_start3A_322 = arith.constant 0 : i32
      %dma_start3A_323 = tpu.memref_slice %arg4[%add3A_321, %dma_start3A_322] : memref<160x128xi32, #tpu.memory_space<vmem>> -> memref<1x128xi32, #tpu.memory_space<vmem>>
      %dma_start3A_324 = tpu.memref_squeeze %dma_start3A_323 : memref<1x128xi32, #tpu.memory_space<vmem>> -> memref<128xi32, #tpu.memory_space<vmem>>
      %dma_start3A_325 = arith.constant 0 : i32
      %dma_start3A_326 = tpu.memref_slice %arg7[%dma_start3A_325] : memref<10240xf32, #tpu.memory_space<vmem_shared>> -> memref<10240xf32, #tpu.memory_space<vmem_shared>>
      tpu.enqueue_indirect_dma source(%arg5 : memref<128xf32, #tpu.memory_space<vmem>>) target(%dma_start3A_326 : memref<10240xf32, #tpu.memory_space<vmem_shared>>) offsets(%dma_start3A_324 : memref<128xi32, #tpu.memory_space<vmem>>) semaphore(%arg8 : memref<!tpu.dma_semaphore, #tpu.memory_space<semaphore_mem>>) {add = true}
      %mul3A_327 = arith.constant 10 : i32
      %mul3A_328 = arith.muli %while3A_310, %mul3A_327 : i32
      %add3A_329 = arith.constant 2 : i32
      %add3A_330 = arith.addi %mul3A_328, %add3A_329 : i32
      %dma_start3A_331 = arith.constant 0 : i32
      %dma_start3A_332 = tpu.memref_slice %arg4[%add3A_330, %dma_start3A_331] : memref<160x128xi32, #tpu.memory_space<vmem>> -> memref<1x128xi32, #tpu.memory_space<vmem>>
      %dma_start3A_333 = tpu.memref_squeeze %dma_start3A_332 : memref<1x128xi32, #tpu.memory_space<vmem>> -> memref<128xi32, #tpu.memory_space<vmem>>
      %dma_start3A_334 = arith.constant 0 : i32
      %dma_start3A_335 = tpu.memref_slice %arg7[%dma_start3A_334] : memref<10240xf32, #tpu.memory_space<vmem_shared>> -> memref<10240xf32, #tpu.memory_space<vmem_shared>>
      tpu.enqueue_indirect_dma source(%arg5 : memref<128xf32, #tpu.memory_space<vmem>>) target(%dma_start3A_335 : memref<10240xf32, #tpu.memory_space<vmem_shared>>) offsets(%dma_start3A_333 : memref<128xi32, #tpu.memory_space<vmem>>) semaphore(%arg8 : memref<!tpu.dma_semaphore, #tpu.memory_space<semaphore_mem>>) {add = true}
      %mul3A_336 = arith.constant 10 : i32
      %mul3A_337 = arith.muli %while3A_310, %mul3A_336 : i32
      %add3A_338 = arith.constant 3 : i32
      %add3A_339 = arith.addi %mul3A_337, %add3A_338 : i32
      %dma_start3A_340 = arith.constant 0 : i32
      %dma_start3A_341 = tpu.memref_slice %arg4[%add3A_339, %dma_start3A_340] : memref<160x128xi32, #tpu.memory_space<vmem>> -> memref<1x128xi32, #tpu.memory_space<vmem>>
      %dma_start3A_342 = tpu.memref_squeeze %dma_start3A_341 : memref<1x128xi32, #tpu.memory_space<vmem>> -> memref<128xi32, #tpu.memory_space<vmem>>
      %dma_start3A_343 = arith.constant 0 : i32
      %dma_start3A_344 = tpu.memref_slice %arg7[%dma_start3A_343] : memref<10240xf32, #tpu.memory_space<vmem_shared>> -> memref<10240xf32, #tpu.memory_space<vmem_shared>>
      tpu.enqueue_indirect_dma source(%arg5 : memref<128xf32, #tpu.memory_space<vmem>>) target(%dma_start3A_344 : memref<10240xf32, #tpu.memory_space<vmem_shared>>) offsets(%dma_start3A_342 : memref<128xi32, #tpu.memory_space<vmem>>) semaphore(%arg8 : memref<!tpu.dma_semaphore, #tpu.memory_space<semaphore_mem>>) {add = true}
      %mul3A_345 = arith.constant 10 : i32
      %mul3A_346 = arith.muli %while3A_310, %mul3A_345 : i32
      %add3A_347 = arith.constant 4 : i32
      %add3A_348 = arith.addi %mul3A_346, %add3A_347 : i32
      %dma_start3A_349 = arith.constant 0 : i32
      %dma_start3A_350 = tpu.memref_slice %arg4[%add3A_348, %dma_start3A_349] : memref<160x128xi32, #tpu.memory_space<vmem>> -> memref<1x128xi32, #tpu.memory_space<vmem>>
      %dma_start3A_351 = tpu.memref_squeeze %dma_start3A_350 : memref<1x128xi32, #tpu.memory_space<vmem>> -> memref<128xi32, #tpu.memory_space<vmem>>
      %dma_start3A_352 = arith.constant 0 : i32
      %dma_start3A_353 = tpu.memref_slice %arg7[%dma_start3A_352] : memref<10240xf32, #tpu.memory_space<vmem_shared>> -> memref<10240xf32, #tpu.memory_space<vmem_shared>>
      tpu.enqueue_indirect_dma source(%arg5 : memref<128xf32, #tpu.memory_space<vmem>>) target(%dma_start3A_353 : memref<10240xf32, #tpu.memory_space<vmem_shared>>) offsets(%dma_start3A_351 : memref<128xi32, #tpu.memory_space<vmem>>) semaphore(%arg8 : memref<!tpu.dma_semaphore, #tpu.memory_space<semaphore_mem>>) {add = true}
      %mul3A_354 = arith.constant 10 : i32
      %mul3A_355 = arith.muli %while3A_310, %mul3A_354 : i32
      %add3A_356 = arith.constant 5 : i32
      %add3A_357 = arith.addi %mul3A_355, %add3A_356 : i32
      %dma_start3A_358 = arith.constant 0 : i32
      %dma_start3A_359 = tpu.memref_slice %arg4[%add3A_357, %dma_start3A_358] : memref<160x128xi32, #tpu.memory_space<vmem>> -> memref<1x128xi32, #tpu.memory_space<vmem>>
      %dma_start3A_360 = tpu.memref_squeeze %dma_start3A_359 : memref<1x128xi32, #tpu.memory_space<vmem>> -> memref<128xi32, #tpu.memory_space<vmem>>
      %dma_start3A_361 = arith.constant 0 : i32
      %dma_start3A_362 = tpu.memref_slice %arg7[%dma_start3A_361] : memref<10240xf32, #tpu.memory_space<vmem_shared>> -> memref<10240xf32, #tpu.memory_space<vmem_shared>>
      tpu.enqueue_indirect_dma source(%arg5 : memref<128xf32, #tpu.memory_space<vmem>>) target(%dma_start3A_362 : memref<10240xf32, #tpu.memory_space<vmem_shared>>) offsets(%dma_start3A_360 : memref<128xi32, #tpu.memory_space<vmem>>) semaphore(%arg8 : memref<!tpu.dma_semaphore, #tpu.memory_space<semaphore_mem>>) {add = true}
      %mul3A_363 = arith.constant 10 : i32
      %mul3A_364 = arith.muli %while3A_310, %mul3A_363 : i32
      %add3A_365 = arith.constant 6 : i32
      %add3A_366 = arith.addi %mul3A_364, %add3A_365 : i32
      %dma_start3A_367 = arith.constant 0 : i32
      %dma_start3A_368 = tpu.memref_slice %arg4[%add3A_366, %dma_start3A_367] : memref<160x128xi32, #tpu.memory_space<vmem>> -> memref<1x128xi32, #tpu.memory_space<vmem>>
      %dma_start3A_369 = tpu.memref_squeeze %dma_start3A_368 : memref<1x128xi32, #tpu.memory_space<vmem>> -> memref<128xi32, #tpu.memory_space<vmem>>
      %dma_start3A_370 = arith.constant 0 : i32
      %dma_start3A_371 = tpu.memref_slice %arg7[%dma_start3A_370] : memref<10240xf32, #tpu.memory_space<vmem_shared>> -> memref<10240xf32, #tpu.memory_space<vmem_shared>>
      tpu.enqueue_indirect_dma source(%arg5 : memref<128xf32, #tpu.memory_space<vmem>>) target(%dma_start3A_371 : memref<10240xf32, #tpu.memory_space<vmem_shared>>) offsets(%dma_start3A_369 : memref<128xi32, #tpu.memory_space<vmem>>) semaphore(%arg8 : memref<!tpu.dma_semaphore, #tpu.memory_space<semaphore_mem>>) {add = true}
      %mul3A_372 = arith.constant 10 : i32
      %mul3A_373 = arith.muli %while3A_310, %mul3A_372 : i32
      %add3A_374 = arith.constant 7 : i32
      %add3A_375 = arith.addi %mul3A_373, %add3A_374 : i32
      %dma_start3A_376 = arith.constant 0 : i32
      %dma_start3A_377 = tpu.memref_slice %arg4[%add3A_375, %dma_start3A_376] : memref<160x128xi32, #tpu.memory_space<vmem>> -> memref<1x128xi32, #tpu.memory_space<vmem>>
      %dma_start3A_378 = tpu.memref_squeeze %dma_start3A_377 : memref<1x128xi32, #tpu.memory_space<vmem>> -> memref<128xi32, #tpu.memory_space<vmem>>
      %dma_start3A_379 = arith.constant 0 : i32
      %dma_start3A_380 = tpu.memref_slice %arg7[%dma_start3A_379] : memref<10240xf32, #tpu.memory_space<vmem_shared>> -> memref<10240xf32, #tpu.memory_space<vmem_shared>>
      tpu.enqueue_indirect_dma source(%arg5 : memref<128xf32, #tpu.memory_space<vmem>>) target(%dma_start3A_380 : memref<10240xf32, #tpu.memory_space<vmem_shared>>) offsets(%dma_start3A_378 : memref<128xi32, #tpu.memory_space<vmem>>) semaphore(%arg8 : memref<!tpu.dma_semaphore, #tpu.memory_space<semaphore_mem>>) {add = true}
      %mul3A_381 = arith.constant 10 : i32
      %mul3A_382 = arith.muli %while3A_310, %mul3A_381 : i32
      %add3A_383 = arith.constant 8 : i32
      %add3A_384 = arith.addi %mul3A_382, %add3A_383 : i32
      %dma_start3A_385 = arith.constant 0 : i32
      %dma_start3A_386 = tpu.memref_slice %arg4[%add3A_384, %dma_start3A_385] : memref<160x128xi32, #tpu.memory_space<vmem>> -> memref<1x128xi32, #tpu.memory_space<vmem>>
      %dma_start3A_387 = tpu.memref_squeeze %dma_start3A_386 : memref<1x128xi32, #tpu.memory_space<vmem>> -> memref<128xi32, #tpu.memory_space<vmem>>
      %dma_start3A_388 = arith.constant 0 : i32
      %dma_start3A_389 = tpu.memref_slice %arg7[%dma_start3A_388] : memref<10240xf32, #tpu.memory_space<vmem_shared>> -> memref<10240xf32, #tpu.memory_space<vmem_shared>>
      tpu.enqueue_indirect_dma source(%arg5 : memref<128xf32, #tpu.memory_space<vmem>>) target(%dma_start3A_389 : memref<10240xf32, #tpu.memory_space<vmem_shared>>) offsets(%dma_start3A_387 : memref<128xi32, #tpu.memory_space<vmem>>) semaphore(%arg8 : memref<!tpu.dma_semaphore, #tpu.memory_space<semaphore_mem>>) {add = true}
      %mul3A_390 = arith.constant 10 : i32
      %mul3A_391 = arith.muli %while3A_310, %mul3A_390 : i32
      %add3A_392 = arith.constant 9 : i32
      %add3A_393 = arith.addi %mul3A_391, %add3A_392 : i32
      %dma_start3A_394 = arith.constant 0 : i32
      %dma_start3A_395 = tpu.memref_slice %arg4[%add3A_393, %dma_start3A_394] : memref<160x128xi32, #tpu.memory_space<vmem>> -> memref<1x128xi32, #tpu.memory_space<vmem>>
      %dma_start3A_396 = tpu.memref_squeeze %dma_start3A_395 : memref<1x128xi32, #tpu.memory_space<vmem>> -> memref<128xi32, #tpu.memory_space<vmem>>
      %dma_start3A_397 = arith.constant 0 : i32
      %dma_start3A_398 = tpu.memref_slice %arg7[%dma_start3A_397] : memref<10240xf32, #tpu.memory_space<vmem_shared>> -> memref<10240xf32, #tpu.memory_space<vmem_shared>>
      tpu.enqueue_indirect_dma source(%arg5 : memref<128xf32, #tpu.memory_space<vmem>>) target(%dma_start3A_398 : memref<10240xf32, #tpu.memory_space<vmem_shared>>) offsets(%dma_start3A_396 : memref<128xi32, #tpu.memory_space<vmem>>) semaphore(%arg8 : memref<!tpu.dma_semaphore, #tpu.memory_space<semaphore_mem>>) {add = true}
      %dma_wait3A = arith.constant 0 : i32
      %dma_wait3A_399 = tpu.memref_slice %arg7[%dma_wait3A] : memref<10240xf32, #tpu.memory_space<vmem_shared>> -> memref<128xf32, #tpu.memory_space<vmem_shared>>
      %dma_wait3A_400 = arith.constant 0 : i32
      %dma_wait3A_401 = tpu.memref_slice %arg7[%dma_wait3A_400] : memref<10240xf32, #tpu.memory_space<vmem_shared>> -> memref<128xf32, #tpu.memory_space<vmem_shared>>
      tpu.wait_dma2 semaphore(%arg8 : memref<!tpu.dma_semaphore, #tpu.memory_space<semaphore_mem>>) src(%arg5 : memref<128xf32, #tpu.memory_space<vmem>>) dst(%dma_wait3A_401 : memref<128xf32, #tpu.memory_space<vmem_shared>>)
      %dma_wait3A_402 = arith.constant 0 : i32
      %dma_wait3A_403 = tpu.memref_slice %arg7[%dma_wait3A_402] : memref<10240xf32, #tpu.memory_space<vmem_shared>> -> memref<128xf32, #tpu.memory_space<vmem_shared>>
      %dma_wait3A_404 = arith.constant 0 : i32
      %dma_wait3A_405 = tpu.memref_slice %arg7[%dma_wait3A_404] : memref<10240xf32, #tpu.memory_space<vmem_shared>> -> memref<128xf32, #tpu.memory_space<vmem_shared>>
      tpu.wait_dma2 semaphore(%arg8 : memref<!tpu.dma_semaphore, #tpu.memory_space<semaphore_mem>>) src(%arg5 : memref<128xf32, #tpu.memory_space<vmem>>) dst(%dma_wait3A_405 : memref<128xf32, #tpu.memory_space<vmem_shared>>)
      %dma_wait3A_406 = arith.constant 0 : i32
      %dma_wait3A_407 = tpu.memref_slice %arg7[%dma_wait3A_406] : memref<10240xf32, #tpu.memory_space<vmem_shared>> -> memref<128xf32, #tpu.memory_space<vmem_shared>>
      %dma_wait3A_408 = arith.constant 0 : i32
      %dma_wait3A_409 = tpu.memref_slice %arg7[%dma_wait3A_408] : memref<10240xf32, #tpu.memory_space<vmem_shared>> -> memref<128xf32, #tpu.memory_space<vmem_shared>>
      tpu.wait_dma2 semaphore(%arg8 : memref<!tpu.dma_semaphore, #tpu.memory_space<semaphore_mem>>) src(%arg5 : memref<128xf32, #tpu.memory_space<vmem>>) dst(%dma_wait3A_409 : memref<128xf32, #tpu.memory_space<vmem_shared>>)
      %dma_wait3A_410 = arith.constant 0 : i32
      %dma_wait3A_411 = tpu.memref_slice %arg7[%dma_wait3A_410] : memref<10240xf32, #tpu.memory_space<vmem_shared>> -> memref<128xf32, #tpu.memory_space<vmem_shared>>
      %dma_wait3A_412 = arith.constant 0 : i32
      %dma_wait3A_413 = tpu.memref_slice %arg7[%dma_wait3A_412] : memref<10240xf32, #tpu.memory_space<vmem_shared>> -> memref<128xf32, #tpu.memory_space<vmem_shared>>
      tpu.wait_dma2 semaphore(%arg8 : memref<!tpu.dma_semaphore, #tpu.memory_space<semaphore_mem>>) src(%arg5 : memref<128xf32, #tpu.memory_space<vmem>>) dst(%dma_wait3A_413 : memref<128xf32, #tpu.memory_space<vmem_shared>>)
      %dma_wait3A_414 = arith.constant 0 : i32
      %dma_wait3A_415 = tpu.memref_slice %arg7[%dma_wait3A_414] : memref<10240xf32, #tpu.memory_space<vmem_shared>> -> memref<128xf32, #tpu.memory_space<vmem_shared>>
      %dma_wait3A_416 = arith.constant 0 : i32
      %dma_wait3A_417 = tpu.memref_slice %arg7[%dma_wait3A_416] : memref<10240xf32, #tpu.memory_space<vmem_shared>> -> memref<128xf32, #tpu.memory_space<vmem_shared>>
      tpu.wait_dma2 semaphore(%arg8 : memref<!tpu.dma_semaphore, #tpu.memory_space<semaphore_mem>>) src(%arg5 : memref<128xf32, #tpu.memory_space<vmem>>) dst(%dma_wait3A_417 : memref<128xf32, #tpu.memory_space<vmem_shared>>)
      %dma_wait3A_418 = arith.constant 0 : i32
      %dma_wait3A_419 = tpu.memref_slice %arg7[%dma_wait3A_418] : memref<10240xf32, #tpu.memory_space<vmem_shared>> -> memref<128xf32, #tpu.memory_space<vmem_shared>>
      %dma_wait3A_420 = arith.constant 0 : i32
      %dma_wait3A_421 = tpu.memref_slice %arg7[%dma_wait3A_420] : memref<10240xf32, #tpu.memory_space<vmem_shared>> -> memref<128xf32, #tpu.memory_space<vmem_shared>>
      tpu.wait_dma2 semaphore(%arg8 : memref<!tpu.dma_semaphore, #tpu.memory_space<semaphore_mem>>) src(%arg5 : memref<128xf32, #tpu.memory_space<vmem>>) dst(%dma_wait3A_421 : memref<128xf32, #tpu.memory_space<vmem_shared>>)
      %dma_wait3A_422 = arith.constant 0 : i32
      %dma_wait3A_423 = tpu.memref_slice %arg7[%dma_wait3A_422] : memref<10240xf32, #tpu.memory_space<vmem_shared>> -> memref<128xf32, #tpu.memory_space<vmem_shared>>
      %dma_wait3A_424 = arith.constant 0 : i32
      %dma_wait3A_425 = tpu.memref_slice %arg7[%dma_wait3A_424] : memref<10240xf32, #tpu.memory_space<vmem_shared>> -> memref<128xf32, #tpu.memory_space<vmem_shared>>
      tpu.wait_dma2 semaphore(%arg8 : memref<!tpu.dma_semaphore, #tpu.memory_space<semaphore_mem>>) src(%arg5 : memref<128xf32, #tpu.memory_space<vmem>>) dst(%dma_wait3A_425 : memref<128xf32, #tpu.memory_space<vmem_shared>>)
      %dma_wait3A_426 = arith.constant 0 : i32
      %dma_wait3A_427 = tpu.memref_slice %arg7[%dma_wait3A_426] : memref<10240xf32, #tpu.memory_space<vmem_shared>> -> memref<128xf32, #tpu.memory_space<vmem_shared>>
      %dma_wait3A_428 = arith.constant 0 : i32
      %dma_wait3A_429 = tpu.memref_slice %arg7[%dma_wait3A_428] : memref<10240xf32, #tpu.memory_space<vmem_shared>> -> memref<128xf32, #tpu.memory_space<vmem_shared>>
      tpu.wait_dma2 semaphore(%arg8 : memref<!tpu.dma_semaphore, #tpu.memory_space<semaphore_mem>>) src(%arg5 : memref<128xf32, #tpu.memory_space<vmem>>) dst(%dma_wait3A_429 : memref<128xf32, #tpu.memory_space<vmem_shared>>)
      %dma_wait3A_430 = arith.constant 0 : i32
      %dma_wait3A_431 = tpu.memref_slice %arg7[%dma_wait3A_430] : memref<10240xf32, #tpu.memory_space<vmem_shared>> -> memref<128xf32, #tpu.memory_space<vmem_shared>>
      %dma_wait3A_432 = arith.constant 0 : i32
      %dma_wait3A_433 = tpu.memref_slice %arg7[%dma_wait3A_432] : memref<10240xf32, #tpu.memory_space<vmem_shared>> -> memref<128xf32, #tpu.memory_space<vmem_shared>>
      tpu.wait_dma2 semaphore(%arg8 : memref<!tpu.dma_semaphore, #tpu.memory_space<semaphore_mem>>) src(%arg5 : memref<128xf32, #tpu.memory_space<vmem>>) dst(%dma_wait3A_433 : memref<128xf32, #tpu.memory_space<vmem_shared>>)
      %dma_wait3A_434 = arith.constant 0 : i32
      %dma_wait3A_435 = tpu.memref_slice %arg7[%dma_wait3A_434] : memref<10240xf32, #tpu.memory_space<vmem_shared>> -> memref<128xf32, #tpu.memory_space<vmem_shared>>
      %dma_wait3A_436 = arith.constant 0 : i32
      %dma_wait3A_437 = tpu.memref_slice %arg7[%dma_wait3A_436] : memref<10240xf32, #tpu.memory_space<vmem_shared>> -> memref<128xf32, #tpu.memory_space<vmem_shared>>
      tpu.wait_dma2 semaphore(%arg8 : memref<!tpu.dma_semaphore, #tpu.memory_space<semaphore_mem>>) src(%arg5 : memref<128xf32, #tpu.memory_space<vmem>>) dst(%dma_wait3A_437 : memref<128xf32, #tpu.memory_space<vmem_shared>>)
    }
    %barrier3A_305 = arith.constant 0 : index
    tpu.barrier barrier_id(%barrier3A_305)
    %mul3A_306 = arith.constant 640 : i32
    %mul3A_307 = arith.muli %arg1, %mul3A_306 : i32
    %mul3A_308 = arith.constant 640 : i32
    %mul3A_309 = arith.muli %arg1, %mul3A_308 : i32
    "tpu.region"() ({
      %run_scoped3A = tpu.sem_alloc : memref<!tpu.dma_semaphore, #tpu.memory_space<semaphore_mem>>
      %dma_start3A = tpu.memref_slice %arg3[%arg0, %mul3A_309] : memref<2x10240xf32, #tpu.memory_space<hbm>> -> memref<1x640xf32, #tpu.memory_space<hbm>>
      %dma_start3A_310 = tpu.memref_squeeze %dma_start3A : memref<1x640xf32, #tpu.memory_space<hbm>> -> memref<640xf32, #tpu.memory_space<hbm>>
      %dma_start3A_311 = tpu.memref_slice %arg7[%mul3A_307] : memref<10240xf32, #tpu.memory_space<vmem_shared>> -> memref<640xf32, #tpu.memory_space<vmem_shared>>
      tpu.enqueue_dma source(%dma_start3A_311 : memref<640xf32, #tpu.memory_space<vmem_shared>>) target(%dma_start3A_310 : memref<640xf32, #tpu.memory_space<hbm>>) target_semaphore(%run_scoped3A : memref<!tpu.dma_semaphore, #tpu.memory_space<semaphore_mem>>)
      %dma_wait3A = tpu.memref_slice %arg3[%arg0, %mul3A_309] : memref<2x10240xf32, #tpu.memory_space<hbm>> -> memref<1x640xf32, #tpu.memory_space<hbm>>
      %dma_wait3A_312 = tpu.memref_squeeze %dma_wait3A : memref<1x640xf32, #tpu.memory_space<hbm>> -> memref<640xf32, #tpu.memory_space<hbm>>
      %dma_wait3A_313 = tpu.memref_slice %arg7[%mul3A_307] : memref<10240xf32, #tpu.memory_space<vmem_shared>> -> memref<640xf32, #tpu.memory_space<vmem_shared>>
      tpu.wait_dma2 semaphore(%run_scoped3A : memref<!tpu.dma_semaphore, #tpu.memory_space<semaphore_mem>>) src(%dma_wait3A_313 : memref<640xf32, #tpu.memory_space<vmem_shared>>) dst(%dma_wait3A_312 : memref<640xf32, #tpu.memory_space<hbm>>)
      tpu.yield
    }) : () -> ()
    return
  }
}

module attributes {stable_mosaic.version = 14 : i64} {
  func.func @_head_body(%arg0: i32, %arg1: memref<2x2000x128xf32, #tpu.memory_space<vmem>>, %arg2: memref<1x2000x1xf32, #tpu.memory_space<vmem>>, %arg3: memref<128x128xf32, #tpu.memory_space<vmem>>, %arg4: memref<1x128xf32, #tpu.memory_space<vmem>>, %arg5: memref<128x128xf32, #tpu.memory_space<vmem>>, %arg6: memref<1x128xf32, #tpu.memory_space<vmem>>, %arg7: memref<128x128xf32, #tpu.memory_space<vmem>>, %arg8: memref<1x128xf32, #tpu.memory_space<vmem>>, %arg9: memref<2000x128xf32, #tpu.memory_space<vmem>>) attributes {dimension_semantics = [#tpu.dimension_semantics<arbitrary>], iteration_bounds = array<i64: 5>, scalar_prefetch = 0 : i64, scratch_operands = 0 : i64, tpu.core_type = #tpu.core_type<tc>, window_params = [{transform_indices = @transform_0, window_bounds = array<i64: 2, 2000, 128>}, {transform_indices = @transform_1, window_bounds = array<i64: 1, 2000, 1>}, {pipeline_mode = #tpu.pipeline_mode<synchronous>, transform_indices = @transform_2, window_bounds = array<i64: 128, 128>}, {pipeline_mode = #tpu.pipeline_mode<synchronous>, transform_indices = @transform_3, window_bounds = array<i64: 1, 128>}, {pipeline_mode = #tpu.pipeline_mode<synchronous>, transform_indices = @transform_4, window_bounds = array<i64: 128, 128>}, {pipeline_mode = #tpu.pipeline_mode<synchronous>, transform_indices = @transform_5, window_bounds = array<i64: 1, 128>}, {pipeline_mode = #tpu.pipeline_mode<synchronous>, transform_indices = @transform_6, window_bounds = array<i64: 128, 128>}, {pipeline_mode = #tpu.pipeline_mode<synchronous>, transform_indices = @transform_7, window_bounds = array<i64: 1, 128>}, {transform_indices = @transform_8, window_bounds = array<i64: 2000, 128>}]} {
    %get3A = arith.constant 0 : index
    %get3A_0 = arith.constant 0 : index
    %get3A_1 = arith.constant 0 : index
    %get3A_2 = vector.load %arg1[%get3A, %get3A_0, %get3A_1] : memref<2x2000x128xf32, #tpu.memory_space<vmem>>, vector<1x2000x128xf32>
    %get3A_3 = vector.shape_cast %get3A_2 : vector<1x2000x128xf32> to vector<2000x128xf32>
    %get3A_4 = arith.constant 1 : index
    %get3A_5 = arith.constant 0 : index
    %get3A_6 = arith.constant 0 : index
    %get3A_7 = vector.load %arg1[%get3A_4, %get3A_5, %get3A_6] : memref<2x2000x128xf32, #tpu.memory_space<vmem>>, vector<1x2000x128xf32>
    %get3A_8 = vector.shape_cast %get3A_7 : vector<1x2000x128xf32> to vector<2000x128xf32>
    %add3A = arith.addf %get3A_3, %get3A_8 : vector<2000x128xf32>
    %get3A_9 = arith.constant 0 : index
    %get3A_10 = arith.constant 0 : index
    %get3A_11 = arith.constant 0 : index
    %get3A_12 = vector.load %arg2[%get3A_9, %get3A_10, %get3A_11] : memref<1x2000x1xf32, #tpu.memory_space<vmem>>, vector<1x2000x1xf32>
    %get3A_13 = vector.shape_cast %get3A_12 : vector<1x2000x1xf32> to vector<2000xf32>
    %max3A = arith.constant 1.000000e+00 : f32
    %max3A_14 = vector.broadcast %max3A : f32 to vector<2000xf32>
    %max3A_15 = arith.maximumf %get3A_13, %max3A_14 : vector<2000xf32>
    %rsqrt3A = math.rsqrt %max3A_15 : vector<2000xf32>
    %broadcast_in_dim3A = vector.shape_cast %rsqrt3A : vector<2000xf32> to vector<2000x1xf32>
    %mul3A = vector.broadcast %broadcast_in_dim3A : vector<2000x1xf32> to vector<2000x128xf32>
    %mul3A_16 = arith.mulf %add3A, %mul3A : vector<2000x128xf32>
    %get3A_17 = arith.constant 0 : index
    %get3A_18 = arith.constant 0 : index
    %get3A_19 = vector.load %arg3[%get3A_17, %get3A_18] : memref<128x128xf32, #tpu.memory_space<vmem>>, vector<128x128xf32>
    %dot_general3A = arith.constant dense<0.000000e+00> : vector<2000x128xf32>
    %dot_general3A_20 = tpu.matmul %mul3A_16, %get3A_19, %dot_general3A {dimension_numbers = #tpu.dot_dimension_numbers<[1], [0], [0], [1], [0, 0, 1, 1], [], []>, transpose_lhs_hint = false} : vector<2000x128xf32>, vector<128x128xf32>, vector<2000x128xf32> -> vector<2000x128xf32>
    %get3A_21 = arith.constant 0 : index
    %get3A_22 = arith.constant 0 : index
    %get3A_23 = vector.load %arg4[%get3A_21, %get3A_22] : memref<1x128xf32, #tpu.memory_space<vmem>>, vector<1x128xf32>
    %add3A_24 = vector.broadcast %get3A_23 : vector<1x128xf32> to vector<2000x128xf32>
    %add3A_25 = arith.addf %dot_general3A_20, %add3A_24 : vector<2000x128xf32>
    %max3A_26 = arith.constant 0.000000e+00 : f32
    %max3A_27 = vector.broadcast %max3A_26 : f32 to vector<2000x128xf32>
    %max3A_28 = arith.maximumf %add3A_25, %max3A_27 : vector<2000x128xf32>
    %get3A_29 = arith.constant 0 : index
    %get3A_30 = arith.constant 0 : index
    %get3A_31 = vector.load %arg5[%get3A_29, %get3A_30] : memref<128x128xf32, #tpu.memory_space<vmem>>, vector<128x128xf32>
    %dot_general3A_32 = arith.constant dense<0.000000e+00> : vector<2000x128xf32>
    %dot_general3A_33 = tpu.matmul %max3A_28, %get3A_31, %dot_general3A_32 {dimension_numbers = #tpu.dot_dimension_numbers<[1], [0], [0], [1], [0, 0, 1, 1], [], []>, transpose_lhs_hint = false} : vector<2000x128xf32>, vector<128x128xf32>, vector<2000x128xf32> -> vector<2000x128xf32>
    %get3A_34 = arith.constant 0 : index
    %get3A_35 = arith.constant 0 : index
    %get3A_36 = vector.load %arg6[%get3A_34, %get3A_35] : memref<1x128xf32, #tpu.memory_space<vmem>>, vector<1x128xf32>
    %add3A_37 = vector.broadcast %get3A_36 : vector<1x128xf32> to vector<2000x128xf32>
    %add3A_38 = arith.addf %dot_general3A_33, %add3A_37 : vector<2000x128xf32>
    %max3A_39 = arith.constant 0.000000e+00 : f32
    %max3A_40 = vector.broadcast %max3A_39 : f32 to vector<2000x128xf32>
    %max3A_41 = arith.maximumf %add3A_38, %max3A_40 : vector<2000x128xf32>
    %get3A_42 = arith.constant 0 : index
    %get3A_43 = arith.constant 0 : index
    %get3A_44 = vector.load %arg7[%get3A_42, %get3A_43] : memref<128x128xf32, #tpu.memory_space<vmem>>, vector<128x128xf32>
    %dot_general3A_45 = arith.constant dense<0.000000e+00> : vector<2000x128xf32>
    %dot_general3A_46 = tpu.matmul %max3A_41, %get3A_44, %dot_general3A_45 {dimension_numbers = #tpu.dot_dimension_numbers<[1], [0], [0], [1], [0, 0, 1, 1], [], []>, transpose_lhs_hint = false} : vector<2000x128xf32>, vector<128x128xf32>, vector<2000x128xf32> -> vector<2000x128xf32>
    %get3A_47 = arith.constant 0 : index
    %get3A_48 = arith.constant 0 : index
    %get3A_49 = vector.load %arg8[%get3A_47, %get3A_48] : memref<1x128xf32, #tpu.memory_space<vmem>>, vector<1x128xf32>
    %add3A_50 = vector.broadcast %get3A_49 : vector<1x128xf32> to vector<2000x128xf32>
    %add3A_51 = arith.addf %dot_general3A_46, %add3A_50 : vector<2000x128xf32>
    %swap3A = arith.constant 0 : index
    %swap3A_52 = arith.constant 0 : index
    %swap3A_53 = vector.load %arg9[%swap3A, %swap3A_52] : memref<2000x128xf32, #tpu.memory_space<vmem>>, vector<2000x128xf32>
    tpu.vector_store %arg9[%swap3A, %swap3A_52], %add3A_51 {strides = array<i32>} : memref<2000x128xf32, #tpu.memory_space<vmem>>, vector<2000x128xf32>,
    return
  }
  func.func @transform_0(%arg0: i32) -> (i32, i32, i32) {
    %c0_i32 = arith.constant 0 : i32
    %c0_i32_0 = arith.constant 0 : i32
    %c0_i32_1 = arith.constant 0 : i32
    return %c0_i32, %arg0, %c0_i32_0 : i32, i32, i32
  }
  func.func @transform_1(%arg0: i32) -> (i32, i32, i32) {
    %c1_i32 = arith.constant 1 : i32
    %c0_i32 = arith.constant 0 : i32
    %c0_i32_0 = arith.constant 0 : i32
    return %c1_i32, %arg0, %c0_i32 : i32, i32, i32
  }
  func.func @transform_2(%arg0: i32) -> (i32, i32) {
    %c0_i32 = arith.constant 0 : i32
    %c0_i32_0 = arith.constant 0 : i32
    %c0_i32_1 = arith.constant 0 : i32
    return %c0_i32, %c0_i32_0 : i32, i32
  }
  func.func @transform_3(%arg0: i32) -> (i32, i32) {
    %c0_i32 = arith.constant 0 : i32
    %c0_i32_0 = arith.constant 0 : i32
    %c0_i32_1 = arith.constant 0 : i32
    return %c0_i32, %c0_i32_0 : i32, i32
  }
  func.func @transform_4(%arg0: i32) -> (i32, i32) {
    %c0_i32 = arith.constant 0 : i32
    %c0_i32_0 = arith.constant 0 : i32
    %c0_i32_1 = arith.constant 0 : i32
    return %c0_i32, %c0_i32_0 : i32, i32
  }
  func.func @transform_5(%arg0: i32) -> (i32, i32) {
    %c0_i32 = arith.constant 0 : i32
    %c0_i32_0 = arith.constant 0 : i32
    %c0_i32_1 = arith.constant 0 : i32
    return %c0_i32, %c0_i32_0 : i32, i32
  }
  func.func @transform_6(%arg0: i32) -> (i32, i32) {
    %c0_i32 = arith.constant 0 : i32
    %c0_i32_0 = arith.constant 0 : i32
    %c0_i32_1 = arith.constant 0 : i32
    return %c0_i32, %c0_i32_0 : i32, i32
  }
  func.func @transform_7(%arg0: i32) -> (i32, i32) {
    %c0_i32 = arith.constant 0 : i32
    %c0_i32_0 = arith.constant 0 : i32
    %c0_i32_1 = arith.constant 0 : i32
    return %c0_i32, %c0_i32_0 : i32, i32
  }
  func.func @transform_8(%arg0: i32) -> (i32, i32) {
    %c0_i32 = arith.constant 0 : i32
    %c0_i32_0 = arith.constant 0 : i32
    return %arg0, %c0_i32 : i32, i32
  }
}

module attributes {stable_mosaic.version = 14 : i64} {
  func.func @_norm_body(%arg0: i32, %arg1: memref<2000x128xf32, #tpu.memory_space<vmem>>, %arg2: memref<1x2000x1xf32, #tpu.memory_space<vmem>>, %arg3: memref<2000x128xf32, #tpu.memory_space<vmem>>) attributes {dimension_semantics = [#tpu.dimension_semantics<arbitrary>], iteration_bounds = array<i64: 5>, scalar_prefetch = 0 : i64, scratch_operands = 0 : i64, tpu.core_type = #tpu.core_type<tc>, window_params = [{transform_indices = @transform_0, window_bounds = array<i64: 2000, 128>}, {transform_indices = @transform_1, window_bounds = array<i64: 1, 2000, 1>}, {transform_indices = @transform_2, window_bounds = array<i64: 2000, 128>}]} {
    %get3A = arith.constant 0 : index
    %get3A_0 = arith.constant 0 : index
    %get3A_1 = arith.constant 0 : index
    %get3A_2 = vector.load %arg2[%get3A, %get3A_0, %get3A_1] : memref<1x2000x1xf32, #tpu.memory_space<vmem>>, vector<1x2000x1xf32>
    %get3A_3 = vector.shape_cast %get3A_2 : vector<1x2000x1xf32> to vector<2000xf32>
    %max3A = arith.constant 1.000000e+00 : f32
    %max3A_4 = vector.broadcast %max3A : f32 to vector<2000xf32>
    %max3A_5 = arith.maximumf %get3A_3, %max3A_4 : vector<2000xf32>
    %rsqrt3A = math.rsqrt %max3A_5 : vector<2000xf32>
    %get3A_6 = arith.constant 0 : index
    %get3A_7 = arith.constant 0 : index
    %get3A_8 = vector.load %arg1[%get3A_6, %get3A_7] : memref<2000x128xf32, #tpu.memory_space<vmem>>, vector<2000x128xf32>
    %broadcast_in_dim3A = vector.shape_cast %rsqrt3A : vector<2000xf32> to vector<2000x1xf32>
    %mul3A = vector.broadcast %broadcast_in_dim3A : vector<2000x1xf32> to vector<2000x128xf32>
    %mul3A_9 = arith.mulf %get3A_8, %mul3A : vector<2000x128xf32>
    %swap3A = arith.constant 0 : index
    %swap3A_10 = arith.constant 0 : index
    %swap3A_11 = vector.load %arg3[%swap3A, %swap3A_10] : memref<2000x128xf32, #tpu.memory_space<vmem>>, vector<2000x128xf32>
    tpu.vector_store %arg3[%swap3A, %swap3A_10], %mul3A_9 {strides = array<i32>} : memref<2000x128xf32, #tpu.memory_space<vmem>>, vector<2000x128xf32>,
    return
  }
  func.func @transform_0(%arg0: i32) -> (i32, i32) {
    %c0_i32 = arith.constant 0 : i32
    %c0_i32_0 = arith.constant 0 : i32
    return %arg0, %c0_i32 : i32, i32
  }
  func.func @transform_1(%arg0: i32) -> (i32, i32, i32) {
    %c0_i32 = arith.constant 0 : i32
    %c0_i32_0 = arith.constant 0 : i32
    %c0_i32_1 = arith.constant 0 : i32
    return %c0_i32, %arg0, %c0_i32_0 : i32, i32, i32
  }
  func.func @transform_2(%arg0: i32) -> (i32, i32) {
    %c0_i32 = arith.constant 0 : i32
    %c0_i32_0 = arith.constant 0 : i32
    return %arg0, %c0_i32 : i32, i32
  }
}

</mosaic_0001>

<sc_bundles>
// kernel: kernel.6.cloned.1.call-start
scs
__scs_entry_jumppad:
0x0: {  	(pc) =	sbr.rel $0x88, $3  }
0x1: {  	(tag) =	ssettag $0x0;
	lr =	simm.s32 $0x1  }
0x2: {  	[smem:$0x3F99] =	sst lr;
	_ =	strace $0xD0000000  }
0x3: {  	_ = 	snop  }
0x4: {  	_ = 	snop  }
0x5: {  	_ = 	snop  }
0x6: {  	_ = 	snop  }
0x7: {  	_ = 	snop  }
__scs_overlays_trampoline_lowered:
0x8: {  	[smem:$0x3FA8] =	sst s0  }
0x9: {  	[smem:$0x3FA9] =	sst s1  }
0xa: {  	[smem:$0x3FAA] =	sst s2  }
0xb: {  	[smem:$0x3FAB] =	sst s3  }
0xc: {  	[smem:$0x3FAC] =	sst s4  }
0xd: {  	[smem:$0x3FAD] =	sst s5  }
0xe: {  	[smem:$0x3FAE] =	sst s6  }
0xf: {  	[smem:$0x3FAF] =	sst s7  }
0x10: {  	[smem:$0x3FB0] =	sst s8  }
0x11: {  	[smem:$0x3FB1] =	sst s9;
	s0 =	simm.s32 @!p0 $0x0  }
0x12: {  	s1 =	sld [smem:$0x3F97];
	s0 =	simm.s32 @p0 $0x1  }
0x13: {  	[smem:$0x3FB2] =	sst s0;
	s0 =	simm.s32 @!p1 $0x0  }
0x14: {  	s2 =	sld [smem:$0x3F96];
	s0 =	simm.s32 @p1 $0x1  }
0x15: {  	[smem:$0x3FB3] =	sst s0;
	s0 =	simm.s32 @!p2 $0x0  }
0x16: {  	s3 =	sld [smem:$0x3FDB];
	s0 =	simm.s32 @p2 $0x1  }
0x17: {  	s4 =	simm.s32 $0x1BF5;
	[smem:$0x3FB5] =	sst s0  }
0x18: {  	s0 =	sld [smem:$0x3F98];
	_ =	swait.ge [sflag:s4], $0x0  }
0x19: {  	s7 =	sld [smem:$0x3F99]  }
0x1a: {  	s8 =	sadd.s32 $0xFFFFE003, lr  }
0x1b: {  	s9 =	sadd.s32 $0xFFFFFEF7, lr;
	s5 =	simm.s32 $0xFFFFFFFF;
	p2 =	slt.u32 s8, $0xFFFFF086  }
0x1c: {  	p1 =	slt.u32 s9, $0xF7A;
	s5 =	simm.s32 @!p2 $0x0  }
0x1d: {  	s5 =	simm.s32 @p1 $0x1;
	p0 =	seq.s32 s7, s2  }
0x1e: {  	s7 =	smul.u32 @!p0 $0xF7A, s2;
	p2 =	seq.s32 @!p0 s5, $0x0  }
0x1f: {  	s9 =	smul.u32 $0xF7A, s1;
	s8 =	simm.s32 @!p0 $0x1BF5;
	p2 =	por !p2, p0  }
0x20: {  	[sflag:s8] =	ssyncset.s32 @!p0 $0xFFFFF086;
	s6 =	sadd.s32 @!p0 s3, s7;
	s7 =	simm.s32 @!p0 $0x108  }
0x21: {  	s3 =	sadd.s32 s3, s9;
	s6 =	sadd.s32 @!p0 $0x88, s6;
	s7 =	simm.s32 @p2 $0x1082  }
0x22: {  	[simem:s7], [sflag:s8] =	dma.local @!p0 [hbm:s6], $0xF7A  }
0x23: {  	s9 =	sor.u32 $0xD0000000, s2;
	s6 =	simm.s32 $0x108;
	_ =	swait.ge @!p0 [sflag:s8], $0x0  }
0x24: {  	s3 =	sadd.s32 $0x88, s3;
	s6 =	simm.s32 @!p1 $0x1082;
	[sflag:s4] =	ssyncset.s32 $0xFFFFF086  }
0x25: {  	[simem:s6], [sflag:s4] =	dma.local [hbm:s3], $0xF7A  }
0x26: {  	[smem:$0x3F99] =	sst s1;
	(tag) =	ssettag s2;
	_ =	strace s9  }
0x27: {  	s1 =	sld [smem:$0x3FA9]  }
0x28: {  	s2 =	sld [smem:$0x3FAA]  }
0x29: {  	s4 =	sld [smem:$0x3FAC]  }
0x2a: {  	p0 =	seq.s32 s5, $0x0;
	s5 =	sld [smem:$0x3FAD]  }
0x2b: {  	s6 =	sld [smem:$0x3FAE]  }
0x2c: {  	s7 =	sld [smem:$0x3FAF]  }
0x2d: {  	s3 =	simm.s32 $0x108;
	s8 =	sld [smem:$0x3FB0]  }
0x2e: {  	s3 =	simm.s32 @!p0 $0x1082;
	s9 =	sld [smem:$0x3FB1]  }
0x2f: {  	lr =	sadd.s32 s0, s3;
	s0 =	sld [smem:$0x3FA8]  }
0x30: {  	s3 =	sld [smem:$0x3FAB]  }
0x31: {  	[smem:$0x3FB4] =	sst s10  }
0x32: {  	s10 =	sld [smem:$0x3FB2];
	_ =	sdelay $0x3  }
0x33: {  	p0 =	seq.s32 s10, $0x1;
	s10 =	sld [smem:$0x3FB4];
	_ =	sdelay $0x3  }
0x34: {  	[smem:$0x3FB4] =	sst s10  }
0x35: {  	s10 =	sld [smem:$0x3FB3];
	_ =	sdelay $0x3  }
0x36: {  	p1 =	seq.s32 s10, $0x1;
	s10 =	sld [smem:$0x3FB4];
	_ =	sdelay $0x3  }
0x37: {  	[smem:$0x3FB4] =	sst s10  }
0x38: {  	s10 =	sld [smem:$0x3FB5]  }
0x39: {  	_ = 	snop;
	(pc) =	sbr.ind lr, $3  }
0x3a: {  	_ = 	snop  }
0x3b: {  	_ = 	snop  }
0x3c: {  	p2 =	seq.s32 s10, $0x1;
	s10 =	sld [smem:$0x3FB4]  }
0x3d: {  	_ =	shalt  }
0x3e: {  	_ =	shalt  }
0x3f: {  	_ =	shalt  }
0x40: {  	_ =	shalt  }
0x41: {  	_ =	shalt  }
0x42: {  	_ =	shalt  }
0x43: {  	_ =	shalt  }
0x44: {  	_ =	shalt  }
0x45: {  	_ =	shalt  }
0x46: {  	_ =	shalt  }
0x47: {  	_ =	shalt  }
0x48: {  	_ =	shalt  }
0x49: {  	_ =	shalt  }
0x4a: {  	_ =	shalt  }
0x4b: {  	_ =	shalt  }
0x4c: {  	_ =	shalt  }
0x4d: {  	_ =	shalt  }
0x4e: {  	_ =	shalt  }
0x4f: {  	_ =	shalt  }
0x50: {  	_ =	shalt  }
0x51: {  	_ =	shalt  }
0x52: {  	_ =	shalt  }
0x53: {  	_ =	shalt  }
0x54: {  	_ =	shalt  }
0x55: {  	_ =	shalt  }
0x56: {  	_ =	shalt  }
0x57: {  	_ =	shalt  }
0x58: {  	_ =	shalt  }
0x59: {  	_ =	shalt  }
0x5a: {  	_ =	shalt  }
0x5b: {  	_ =	shalt  }
0x5c: {  	_ =	shalt  }
0x5d: {  	_ =	shalt  }
0x5e: {  	_ =	shalt  }
0x5f: {  	_ =	shalt  }
0x60: {  	_ =	shalt  }
0x61: {  	_ =	shalt  }
0x62: {  	_ =	shalt  }
0x63: {  	_ =	shalt  }
0x64: {  	_ =	shalt  }
0x65: {  	_ =	shalt  }
0x66: {  	_ =	shalt  }
0x67: {  	_ =	shalt  }
0x68: {  	_ =	shalt  }
0x69: {  	_ =	shalt  }
0x6a: {  	_ =	shalt  }
0x6b: {  	_ =	shalt  }
0x6c: {  	_ =	shalt  }
0x6d: {  	_ =	shalt  }
0x6e: {  	_ =	shalt  }
0x6f: {  	_ =	shalt  }
0x70: {  	_ =	shalt  }
0x71: {  	_ =	shalt  }
0x72: {  	_ =	shalt  }
0x73: {  	_ =	shalt  }
0x74: {  	_ =	shalt  }
0x75: {  	_ =	shalt  }
0x76: {  	_ =	shalt  }
0x77: {  	_ =	shalt  }
0x78: {  	_ =	shalt  }
0x79: {  	_ =	shalt  }
0x7a: {  	_ =	shalt  }
0x7b: {  	_ =	shalt  }
0x7c: {  	_ =	shalt  }
0x7d: {  	_ =	shalt  }
0x7e: {  	_ =	shalt  }
0x7f: {  	_ =	shalt  }
0x80: {  	_ =	shalt  }
0x81: {  	_ =	shalt  }
0x82: {  	_ =	shalt  }
0x83: {  	_ =	shalt  }
0x84: {  	_ =	shalt  }
0x85: {  	_ =	shalt  }
0x86: {  	_ =	shalt  }
0x87: {  	_ =	shalt  }
.Lfunc_end0:
.L_simem_size_0:
called_computation_lowered:
.L_overlay_start_0:
0x88: {  	s2 =	sld [smem:$0x3FD9]  }
0x89: {  	s3 =	sld [smem:$0x3FFE];
	_ =	sdelay $0x1  }
0x8a: {  	s1 =	srdreg.scid  }
0x8b: {  	s0 =	sand.u32 $0x1, s1  }
0x8c: {  	s17 =	sshll.u32 s0, $0xA;
	s2 =	sadd.s32 s3, s2  }
0x8d: {  	s2 =	sadd.s32 s2, s17  }
0x8e: {  	[smem:$0x3FC0] =	sst s2  }
0x8f: {  	_ = 	snop  }
0x90: {  	s2 =	sld [smem:$0x3FD0];
	(tm) =	ssettm $0x1  }
0x91: {  	s18 =	sld [smem:$0x3FFB];
	_ =	sdelay $0x3  }
0x92: {  	_ =	strace s18  }
0x93: {  	s3 =	sld [smem:$0x3FFC];
	_ =	sdelay $0x3  }
0x94: {  	_ =	strace s3  }
0x95: {  	s3 =	sld [smem:$0x3FFD];
	_ =	sdelay $0x3  }
0x96: {  	_ =	strace s3  }
0x97: {  	_ =	strace $0x8FFFFFFF  }
0x98: {  	s19 =	sld [smem:$0x3FDB];
	_ =	sdelay $0x1  }
0x99: {  	s4 =	simm.s32 $_scs_section_size  }
0x9a: {  	s5 =	simm.s32 $_size__tile_overlayer_lowered;
	s6 =	simm.s32 $_tile_overlayer_lowered  }
0x9b: {  	s22 =	simm.s32 $0x1BFF;
	s21 =	sshll.u32 s6, $0x1;
	s3 =	sadd.s32 s4, s19  }
0x9c: {  	s7 =	simm.s32 $0x0;
	s20 =	sshll.u32 s5, $0x1;
	s5 =	sadd.s32 s21, s3  }
0x9d: {  	[timem:s7], [sflag:s22] =	dma.local [hbm:s5], s20  }
0x9e: {  	_ =	swait.ge [sflag:s22], s20  }
0x9f: {  	s4 =	ssub.s32 $0x0, s20;
	[sflag:s22] =	ssyncset.done $0x0  }
0xa0: {  	[sflag:s22] =	ssyncadd.s32 s4;
	_ =	sdelay $0x1  }
0xa1: {  	s23 =	simm.s32 $0x1B8B  }
0xa2: {  	_ =	swait.ge [sflag:s23], $0x1  }
0xa3: {  	[sflag:s23] =	ssyncset.done $0x0  }
0xa4: {  	s25 =	simm.s32 $0x1B8E;
	s24 =	sld [smem:$0x3FFE];
	[sflag:s23] =	ssyncadd.s32 $0xFFFFFFFF  }
0xa5: {  	s26 =	simm.s32 $execute0_lowered;
	[smem:$0x3FD2] =	sst s25  }
0xa6: {  	s5 =	sshll.u32 s26, $0x1;
	_ =	strace $0x80000046;
	[dreg:$0x1] =	wrdreg $0xFFFFFFFF  }
0xa7: {  	s28 =	simm.s32 $_size_execute0_lowered;
	s3 =	sadd.s32 s3, s5;
	[dreg:$0x0] =	wrdreg $0x0  }
0xa8: {  	s5 =	sshll.u32 s28, $0x1;
	[dreg:$0x2] =	wrdreg s3  }
0xa9: {  	[dreg:$0x3] =	wrdreg s5  }
0xaa: {  	[dreg:$0x4] =	wrdreg $0xC0  }
0xab: {  	_ =	task [dreg:s7], $0x5FFFF  }
0xac: {  	[dreg:$0x1] =	wrdreg $0xFFFFFFFF  }
0xad: {  	[dreg:$0x0] =	wrdreg $0x60  }
0xae: {  	[dreg:$0x2] =	wrdreg s24  }
0xaf: {  	[dreg:$0x3] =	wrdreg s2  }
0xb0: {  	[dreg:$0x4] =	wrdreg $0x53000  }
0xb1: {  	[dreg:$0x5] =	wrdreg $0x9  }
0xb2: {  	_ =	task.clear_ibuf [dreg:s7], $0x6FFFF;
	_ =	strace $0x90000046  }
0xb3: {  	s29 =	simm.s32 $0x9;
	_ =	strace $0x80000048  }
0xb4: {  	_ =	swait.ge [sflag:s29], $0x1  }
0xb5: {  	[sflag:s29] =	ssyncadd.s32 $0xFFFFFFFF  }
0xb6: {  	_ =	strace $0x90000048  }
0xb7: {  	_ =	sfence  }
0xb8: {  	s30 =	sld [smem:$0x0];
	_ =	sdelay $0x2  }
0xb9: {  	s31 =	sshll.u32 s1, $0xD;
	s1 =	sshrl.u32 s1, $0x2  }
0xba: {  	s3 =	sand.u32 $0x4000, s31;
	s1 =	sadd.s32 s1, s30  }
0xbb: {  	s0 =	sor.u32 s3, s0;
	s1 =	sshll.u32 s1, $0x11  }
0xbc: {  	s0 =	sor.u32 s1, s0  }
0xbd: {  	s0 =	sadd.s32 $0x8F2B, s0  }
0xbe: {  	[sflag:s0] =	ssyncadd.remote.s32 $0x1  }
0xbf: {  	_ =	sfence.sel $0xFFFF  }
0xc0: {  	[dreg:$0x0] =	wrdreg $0xFFFFFFFF;
	(pc) =	sbr.abs _section_cstart, $3  }
0xc1: {  	[dreg:$0x1] =	wrdreg $0xFFFFFFFF  }
0xc2: {  	_ =	task.clear_ibuf [dreg:s7], $0x2FFFF;
	_ =	strace $0x9FFFFFFF  }
0xc3: {  	(tm) =	ssettm $0x7FFFFFFF  }
tec
execute0_lowered:
.L_overlay_start_1:
0x0: {  	(tag) =	ssettag $0x1  }
0x1: {  	s4 =	rddreg [dreg:$0x0]  }
0x2: {  	s7 =	rddreg [dreg:$0x1]  }
0x3: {  	s2 =	rddreg [dreg:$0x2]  }
0x4: {  	s0 =	rddreg [dreg:$0x3];
	s3 =	simm.s32 $0x0;
	s5 =	srdreg.scid  }
0x5: {  	s1 =	stileid.u32;
	s13 =	simm.s32 $0x1;
	s16 =	simm.s32 $0x20  }
0x6: {  	s17 =	simm.s32 $0x10;
	[smem:$0x7FF] =	sst s3;
	s6 =	smul.u32 $0xA00, s1  }
0x7: {  	s5 =	sand.u32 $0x1, s5;
	s9 =	sadd.s32 $0x2000, s4;
	s10 =	smul.u32 $0x5000, s1  }
0x8: {  	s12 =	smul.u32 $0x500, s1;
	p0 =	seq.s32 s1, $0xF;
	s14 =	sshll.u32 s1, $0x6  }
0x9: {  	_ =	strace $0x80000047;
	s8 =	smul.u32 $0x4E400, s5;
	s29 =	ssub.s32 $0x2, s5  }
0xa: {  	s5 =	sshll.u32 s5, $0x7;
	s14 =	sor.u32 $0x1C02, s14;
	s11 =	sshrl.u32 s29, $0x1  }
0xb: {  	s6 =	sshrl.u32 s6, $0x2;
	s5 =	sor.u32 s5, s12;
	s12 =	simm.s32 $0x5000  }
0xc: {  	s11 =	ssub.s32 s29, s11;
	s4 =	sadd.s32 s6, s2;
	s30 =	sadd.s32 s10, s8  }
0xd: {  	s8 =	sshrl.u32 s8, $0x3;
	s31 =	sshrl.u32 s5, $0x3;
	s10 =	simm.s32 $0x2  }
0xe: {  	s6 =	sshrl.u32 s30, $0x3;
	s8 =	sadd.s32 s9, s8;
	s7 =	sadd.s32 s7, s31  }
0xf: {  	s15 =	sshrl.u32 s4, $0x3;
	s5 =	sadd.s32 s9, s6;
	s6 =	sadd.s32 $0x9600, s8  }
0x10: {  	v0 =	vimm.f32 $1.000000000e+00;
	v1 =	vimm.f32 $0.0e+00;
	s8 =	smax.u32 s11, $0x1;
	s9 =	simm.s32 $0x5080;
	s11 =	simm.s32 $0x80  }
.LBB2_1:
0x11: {  	[tilespmem:$0x5000] =	vst v0  }
0x12: {  	[tilespmem:$0x5010] =	vst v0  }
0x13: {  	[tilespmem:$0x5020] =	vst v0  }
0x14: {  	[tilespmem:$0x5030] =	vst v0  }
0x15: {  	[tilespmem:$0x5040] =	vst v0  }
0x16: {  	[tilespmem:$0x5050] =	vst v0  }
0x17: {  	[tilespmem:$0x5060] =	vst v0  }
0x18: {  	[tilespmem:$0x5070] =	vst v0  }
0x19: {  	[tilespmem:$0x5080] =	vst v1  }
0x1a: {  	[tilespmem:$0x5090] =	vst v1  }
0x1b: {  	[tilespmem:$0x50A0] =	vst v1  }
0x1c: {  	[tilespmem:$0x50B0] =	vst v1  }
0x1d: {  	[tilespmem:$0x50C0] =	vst v1  }
0x1e: {  	[tilespmem:$0x50D0] =	vst v1  }
0x1f: {  	[tilespmem:$0x50E0] =	vst v1  }
0x20: {  	[tilespmem:$0x50F0] =	vst v1  }
0x21: {  	[tilespmem:$0x5100] =	vst v1  }
0x22: {  	[tilespmem:$0x5110] =	vst v1  }
0x23: {  	[tilespmem:$0x5120] =	vst v1  }
0x24: {  	[tilespmem:$0x5130] =	vst v1  }
0x25: {  	[tilespmem:$0x5140] =	vst v1  }
0x26: {  	[tilespmem:$0x5150] =	vst v1  }
0x27: {  	[tilespmem:$0x5160] =	vst v1  }
0x28: {  	[tilespmem:$0x5170] =	vst v1  }
0x29: {  	[tilespmem:$0x5180] =	vst v1  }
0x2a: {  	[tilespmem:$0x5190] =	vst v1  }
0x2b: {  	[tilespmem:$0x51A0] =	vst v1  }
0x2c: {  	[tilespmem:$0x51B0] =	vst v1  }
0x2d: {  	[tilespmem:$0x51C0] =	vst v1  }
0x2e: {  	[tilespmem:$0x51D0] =	vst v1  }
0x2f: {  	[tilespmem:$0x51E0] =	vst v1  }
0x30: {  	[tilespmem:$0x51F0] =	vst v1  }
0x31: {  	[tilespmem:$0x5200] =	vst v1  }
0x32: {  	[tilespmem:$0x5210] =	vst v1  }
0x33: {  	[tilespmem:$0x5220] =	vst v1  }
0x34: {  	[tilespmem:$0x5230] =	vst v1  }
0x35: {  	[tilespmem:$0x5240] =	vst v1  }
0x36: {  	[tilespmem:$0x5250] =	vst v1  }
0x37: {  	[tilespmem:$0x5260] =	vst v1  }
0x38: {  	[tilespmem:$0x5270] =	vst v1  }
0x39: {  	[tilespmem:$0x5280] =	vst v1  }
0x3a: {  	[tilespmem:$0x5290] =	vst v1  }
0x3b: {  	[tilespmem:$0x52A0] =	vst v1  }
0x3c: {  	[tilespmem:$0x52B0] =	vst v1  }
0x3d: {  	[tilespmem:$0x52C0] =	vst v1  }
0x3e: {  	[tilespmem:$0x52D0] =	vst v1  }
0x3f: {  	[tilespmem:$0x52E0] =	vst v1  }
0x40: {  	[tilespmem:$0x52F0] =	vst v1  }
0x41: {  	[spmem:s4] =	stream.linear.scatter [tilespmem:s9], [sflag:$0x2], $0x280, $0x38;
	[tilespmem:$0x5580] =	vst v63  }
0x42: {  	_ =	swait.ge [sflag:s10], $0x280  }
0x43: {  	[sflag:s10] =	ssyncset.done $0x0  }
0x44: {  	s18 =	simm.s32 @p0 $0x0;
	[sflag:s10] =	ssyncadd.s32 $0xFFFFFD80  }
0x45: {  	[tilespmem:s18], [sflag:$0x2] =	stream.linear.gather @p0 [hbm4b:s6+s18], $0x3200, $0x38;
	[tilespmem:$0x5580] =	vst v63  }
0x46: {  	s18 =	simm.s32 @p0 $0x2  }
0x47: {  	_ =	swait.ge @p0 [sflag:s18], $0x3200  }
0x48: {  	[sflag:s18] =	ssyncset.done @p0 $0x0  }
0x49: {  	[sflag:s18] =	ssyncadd.s32 @p0 $0xFFFFCE00;
	s18 =	simm.s32 @!p0 $0x0  }
0x4a: {  	[tilespmem:s18], [sflag:$0x2] =	stream.linear.gather @!p0 [hbm4b:s5+s18], $0x5000, $0x38;
	[tilespmem:$0x5580] =	vst v63  }
0x4b: {  	s18 =	simm.s32 @!p0 $0x10  }
0x4c: {  	s18 =	simm.s32 @p0 $0xA  }
0x4d: {  	s18 =	smul.u32 $0x1400, s18;
	_ =	sdelay $0x1  }
0x4e: {  	s19 =	simm.s32 @!p0 $0x2;
	p2 =	sne.s32 s18, $0x1400  }
.Ltmp0:
0x4f: {  	_ =	swait.ge @!p0 [sflag:s19], $0x5000;
	(pc) =	sbr.rel @!p2 .LBB2_6-.Ltmp0, $4  }
0x50: {  	[sflag:s19] =	ssyncset.done @!p0 $0x0  }
0x51: {  	[sflag:s19] =	ssyncadd.s32 @!p0 $0xFFFFB000  }
0x52: {  	[bflag:$0x0] =	sbarrier.arrive $0xFFFF  }
0x53: {  	p1 =	por $0x0, $0x0;
	s20 =	simm.s32 $0x0;
	s19 =	simm.s32 $0x1400  }
0x54: {  	s20 =	simm.s32 $0x0  }
0x55: {  	[spmem:s2] =	stream.indirect.scatter.add.f32 [tilespmem:s12], [sflag:$0x1], $0x1, s20, s11, $0xb8;
	[tilespmem:$0x5580] =	vst v63  }
0x56: {  	s22 =	simm.s32 $0x80  }
0x57: {  	[spmem:s2] =	stream.indirect.scatter.add.f32 [tilespmem:s12], [sflag:$0x1], $0x1, s22, s11, $0xb8;
	[tilespmem:$0x5580] =	vst v63  }
0x58: {  	s23 =	simm.s32 $0x100  }
0x59: {  	[spmem:s2] =	stream.indirect.scatter.add.f32 [tilespmem:s12], [sflag:$0x1], $0x1, s23, s11, $0xb8;
	[tilespmem:$0x5580] =	vst v63  }
0x5a: {  	s24 =	simm.s32 $0x180  }
0x5b: {  	[spmem:s2] =	stream.indirect.scatter.add.f32 [tilespmem:s12], [sflag:$0x1], $0x1, s24, s11, $0xb8;
	[tilespmem:$0x5580] =	vst v63  }
0x5c: {  	s25 =	simm.s32 $0x200  }
0x5d: {  	[spmem:s2] =	stream.indirect.scatter.add.f32 [tilespmem:s12], [sflag:$0x1], $0x1, s25, s11, $0xb8;
	[tilespmem:$0x5580] =	vst v63  }
0x5e: {  	s26 =	simm.s32 $0x280  }
0x5f: {  	[spmem:s2] =	stream.indirect.scatter.add.f32 [tilespmem:s12], [sflag:$0x1], $0x1, s26, s11, $0xb8;
	[tilespmem:$0x5580] =	vst v63  }
0x60: {  	s28 =	simm.s32 $0x300  }
0x61: {  	[spmem:s2] =	stream.indirect.scatter.add.f32 [tilespmem:s12], [sflag:$0x1], $0x1, s28, s11, $0xb8;
	[tilespmem:$0x5580] =	vst v63  }
0x62: {  	s29 =	simm.s32 $0x380  }
0x63: {  	[spmem:s2] =	stream.indirect.scatter.add.f32 [tilespmem:s12], [sflag:$0x1], $0x1, s29, s11, $0xb8;
	[tilespmem:$0x5580] =	vst v63  }
0x64: {  	s30 =	simm.s32 $0x400  }
0x65: {  	[spmem:s2] =	stream.indirect.scatter.add.f32 [tilespmem:s12], [sflag:$0x1], $0x1, s30, s11, $0xb8;
	[tilespmem:$0x5580] =	vst v63  }
0x66: {  	s31 =	simm.s32 $0x480  }
0x67: {  	[spmem:s2] =	stream.indirect.scatter.add.f32 [tilespmem:s12], [sflag:$0x1], $0x1, s31, s11, $0xb8;
	[tilespmem:$0x5580] =	vst v63  }
0x68: {  	_ =	swait.ge [sflag:s13], $0x80  }
0x69: {  	[sflag:s13] =	ssyncset.done $0x0  }
0x6a: {  	[sflag:s13] =	ssyncadd.s32 $0xFFFFFF80  }
0x6b: {  	_ =	swait.ge [sflag:s13], $0x80  }
0x6c: {  	[sflag:s13] =	ssyncset.done $0x0  }
0x6d: {  	[sflag:s13] =	ssyncadd.s32 $0xFFFFFF80  }
0x6e: {  	_ =	swait.ge [sflag:s13], $0x80  }
0x6f: {  	[sflag:s13] =	ssyncset.done $0x0  }
0x70: {  	[sflag:s13] =	ssyncadd.s32 $0xFFFFFF80  }
0x71: {  	_ =	swait.ge [sflag:s13], $0x80  }
0x72: {  	[sflag:s13] =	ssyncset.done $0x0  }
0x73: {  	[sflag:s13] =	ssyncadd.s32 $0xFFFFFF80  }
0x74: {  	_ =	swait.ge [sflag:s13], $0x80  }
0x75: {  	[sflag:s13] =	ssyncset.done $0x0  }
0x76: {  	[sflag:s13] =	ssyncadd.s32 $0xFFFFFF80  }
0x77: {  	_ =	swait.ge [sflag:s13], $0x80  }
0x78: {  	[sflag:s13] =	ssyncset.done $0x0  }
0x79: {  	[sflag:s13] =	ssyncadd.s32 $0xFFFFFF80  }
0x7a: {  	_ =	swait.ge [sflag:s13], $0x80  }
0x7b: {  	[sflag:s13] =	ssyncset.done $0x0  }
0x7c: {  	[sflag:s13] =	ssyncadd.s32 $0xFFFFFF80  }
0x7d: {  	_ =	swait.ge [sflag:s13], $0x80  }
0x7e: {  	[sflag:s13] =	ssyncset.done $0x0  }
0x7f: {  	p2 =	sne.s32 s18, $0x2800;
	[sflag:s13] =	ssyncadd.s32 $0xFFFFFF80  }
.Ltmp1:
0x80: {  	_ =	swait.ge [sflag:s13], $0x80;
	(pc) =	sbr.rel @!p2 .LBB2_3-.Ltmp1, $4  }
0x81: {  	[sflag:s13] =	ssyncset.done $0x0  }
0x82: {  	[sflag:s13] =	ssyncadd.s32 $0xFFFFFF80  }
0x83: {  	_ =	swait.ge [sflag:s13], $0x80  }
0x84: {  	p1 =	por $0x1, $0x1;
	s20 =	simm.s32 $0x2800;
	[sflag:s13] =	ssyncset.done $0x0  }
.LBB2_4:
0x85: {  	s21 =	sshra.s32 s19, $0x2  }
0x86: {  	[sflag:s13] =	ssyncadd.s32 $0xFFFFFF80;
	s19 =	smov.u32 s20;
	s20 =	sadd.s32 $0x1400, s20  }
0x87: {  	[spmem:s2] =	stream.indirect.scatter.add.f32 [tilespmem:s12], [sflag:$0x1], $0x1, s21, s11, $0xb8;
	[tilespmem:$0x5580] =	vst v63  }
0x88: {  	p2 =	sne.s32 s18, s20;
	s22 =	sadd.s32 $0x80, s21  }
0x89: {  	[spmem:s2] =	stream.indirect.scatter.add.f32 [tilespmem:s12], [sflag:$0x1], $0x1, s22, s11, $0xb8;
	[tilespmem:$0x5580] =	vst v63  }
0x8a: {  	s22 =	sadd.s32 $0x100, s21  }
0x8b: {  	[spmem:s2] =	stream.indirect.scatter.add.f32 [tilespmem:s12], [sflag:$0x1], $0x1, s22, s11, $0xb8;
	[tilespmem:$0x5580] =	vst v63  }
0x8c: {  	s22 =	sadd.s32 $0x180, s21  }
0x8d: {  	[spmem:s2] =	stream.indirect.scatter.add.f32 [tilespmem:s12], [sflag:$0x1], $0x1, s22, s11, $0xb8;
	[tilespmem:$0x5580] =	vst v63  }
0x8e: {  	s22 =	sadd.s32 $0x200, s21  }
0x8f: {  	[spmem:s2] =	stream.indirect.scatter.add.f32 [tilespmem:s12], [sflag:$0x1], $0x1, s22, s11, $0xb8;
	[tilespmem:$0x5580] =	vst v63  }
0x90: {  	s22 =	sadd.s32 $0x280, s21  }
0x91: {  	[spmem:s2] =	stream.indirect.scatter.add.f32 [tilespmem:s12], [sflag:$0x1], $0x1, s22, s11, $0xb8;
	[tilespmem:$0x5580] =	vst v63  }
0x92: {  	s22 =	sadd.s32 $0x300, s21  }
0x93: {  	[spmem:s2] =	stream.indirect.scatter.add.f32 [tilespmem:s12], [sflag:$0x1], $0x1, s22, s11, $0xb8;
	[tilespmem:$0x5580] =	vst v63  }
0x94: {  	s22 =	sadd.s32 $0x380, s21  }
0x95: {  	[spmem:s2] =	stream.indirect.scatter.add.f32 [tilespmem:s12], [sflag:$0x1], $0x1, s22, s11, $0xb8;
	[tilespmem:$0x5580] =	vst v63  }
0x96: {  	s22 =	sadd.s32 $0x400, s21  }
0x97: {  	[spmem:s2] =	stream.indirect.scatter.add.f32 [tilespmem:s12], [sflag:$0x1], $0x1, s22, s11, $0xb8;
	[tilespmem:$0x5580] =	vst v63  }
0x98: {  	s21 =	sadd.s32 $0x480, s21  }
0x99: {  	[spmem:s2] =	stream.indirect.scatter.add.f32 [tilespmem:s12], [sflag:$0x1], $0x1, s21, s11, $0xb8;
	[tilespmem:$0x5580] =	vst v63  }
0x9a: {  	_ =	swait.ge [sflag:s13], $0x80  }
0x9b: {  	[sflag:s13] =	ssyncset.done $0x0  }
0x9c: {  	[sflag:s13] =	ssyncadd.s32 $0xFFFFFF80  }
0x9d: {  	_ =	swait.ge [sflag:s13], $0x80  }
0x9e: {  	[sflag:s13] =	ssyncset.done $0x0  }
0x9f: {  	[sflag:s13] =	ssyncadd.s32 $0xFFFFFF80  }
0xa0: {  	_ =	swait.ge [sflag:s13], $0x80  }
0xa1: {  	[sflag:s13] =	ssyncset.done $0x0  }
0xa2: {  	[sflag:s13] =	ssyncadd.s32 $0xFFFFFF80  }
0xa3: {  	_ =	swait.ge [sflag:s13], $0x80  }
0xa4: {  	[sflag:s13] =	ssyncset.done $0x0  }
0xa5: {  	[sflag:s13] =	ssyncadd.s32 $0xFFFFFF80  }
0xa6: {  	_ =	swait.ge [sflag:s13], $0x80  }
0xa7: {  	[sflag:s13] =	ssyncset.done $0x0  }
0xa8: {  	[sflag:s13] =	ssyncadd.s32 $0xFFFFFF80  }
0xa9: {  	_ =	swait.ge [sflag:s13], $0x80  }
0xaa: {  	[sflag:s13] =	ssyncset.done $0x0  }
0xab: {  	[sflag:s13] =	ssyncadd.s32 $0xFFFFFF80  }
0xac: {  	_ =	swait.ge [sflag:s13], $0x80  }
0xad: {  	[sflag:s13] =	ssyncset.done $0x0  }
0xae: {  	[sflag:s13] =	ssyncadd.s32 $0xFFFFFF80  }
0xaf: {  	_ =	swait.ge [sflag:s13], $0x80  }
0xb0: {  	[sflag:s13] =	ssyncset.done $0x0  }
0xb1: {  	[sflag:s13] =	ssyncadd.s32 $0xFFFFFF80  }
.Ltmp2:
0xb2: {  	_ =	swait.ge [sflag:s13], $0x80;
	(pc) =	sbr.rel @p2 .LBB2_4-.Ltmp2, $4  }
0xb3: {  	[sflag:s13] =	ssyncset.done $0x0  }
0xb4: {  	[sflag:s13] =	ssyncadd.s32 $0xFFFFFF80  }
0xb5: {  	_ =	swait.ge [sflag:s13], $0x80  }
0xb6: {  	[sflag:s13] =	ssyncset.done $0x0  }
0xb7: {  	s20 =	smov.u32 s19  }
.LBB2_6:
0xb8: {  	s18 =	sshra.s32 s20, $0x2;
	[sflag:s13] =	ssyncadd.s32 @p1 $0xFFFFFF80  }
0xb9: {  	[spmem:s2] =	stream.indirect.scatter.add.f32 [tilespmem:s12], [sflag:$0x1], $0x1, s18, s11, $0xb8;
	[tilespmem:$0x5580] =	vst v63  }
0xba: {  	s19 =	sadd.s32 $0x80, s18  }
0xbb: {  	[spmem:s2] =	stream.indirect.scatter.add.f32 [tilespmem:s12], [sflag:$0x1], $0x1, s19, s11, $0xb8;
	[tilespmem:$0x5580] =	vst v63  }
0xbc: {  	s24 =	sadd.s32 $0x100, s18  }
0xbd: {  	[spmem:s2] =	stream.indirect.scatter.add.f32 [tilespmem:s12], [sflag:$0x1], $0x1, s24, s11, $0xb8;
	[tilespmem:$0x5580] =	vst v63  }
0xbe: {  	s25 =	sadd.s32 $0x180, s18  }
0xbf: {  	[spmem:s2] =	stream.indirect.scatter.add.f32 [tilespmem:s12], [sflag:$0x1], $0x1, s25, s11, $0xb8;
	[tilespmem:$0x5580] =	vst v63  }
0xc0: {  	s26 =	sadd.s32 $0x200, s18  }
0xc1: {  	[spmem:s2] =	stream.indirect.scatter.add.f32 [tilespmem:s12], [sflag:$0x1], $0x1, s26, s11, $0xb8;
	[tilespmem:$0x5580] =	vst v63  }
0xc2: {  	s28 =	sadd.s32 $0x280, s18  }
0xc3: {  	[spmem:s2] =	stream.indirect.scatter.add.f32 [tilespmem:s12], [sflag:$0x1], $0x1, s28, s11, $0xb8;
	[tilespmem:$0x5580] =	vst v63  }
0xc4: {  	s29 =	sadd.s32 $0x300, s18  }
0xc5: {  	[spmem:s2] =	stream.indirect.scatter.add.f32 [tilespmem:s12], [sflag:$0x1], $0x1, s29, s11, $0xb8;
	[tilespmem:$0x5580] =	vst v63  }
0xc6: {  	s30 =	sadd.s32 $0x380, s18  }
0xc7: {  	[spmem:s2] =	stream.indirect.scatter.add.f32 [tilespmem:s12], [sflag:$0x1], $0x1, s30, s11, $0xb8;
	[tilespmem:$0x5580] =	vst v63  }
0xc8: {  	s31 =	sadd.s32 $0x400, s18  }
0xc9: {  	[spmem:s2] =	stream.indirect.scatter.add.f32 [tilespmem:s12], [sflag:$0x1], $0x1, s31, s11, $0xb8;
	[tilespmem:$0x5580] =	vst v63  }
0xca: {  	s18 =	sadd.s32 $0x480, s18  }
0xcb: {  	[spmem:s2] =	stream.indirect.scatter.add.f32 [tilespmem:s12], [sflag:$0x1], $0x1, s18, s11, $0xb8;
	[tilespmem:$0x5580] =	vst v63  }
0xcc: {  	_ =	swait.ge [sflag:s13], $0x80  }
0xcd: {  	[sflag:s13] =	ssyncset.done $0x0  }
0xce: {  	[sflag:s13] =	ssyncadd.s32 $0xFFFFFF80  }
0xcf: {  	_ =	swait.ge [sflag:s13], $0x80  }
0xd0: {  	[sflag:s13] =	ssyncset.done $0x0  }
0xd1: {  	[sflag:s13] =	ssyncadd.s32 $0xFFFFFF80  }
0xd2: {  	_ =	swait.ge [sflag:s13], $0x80  }
0xd3: {  	[sflag:s13] =	ssyncset.done $0x0  }
0xd4: {  	[sflag:s13] =	ssyncadd.s32 $0xFFFFFF80  }
0xd5: {  	_ =	swait.ge [sflag:s13], $0x80  }
0xd6: {  	[sflag:s13] =	ssyncset.done $0x0  }
0xd7: {  	[sflag:s13] =	ssyncadd.s32 $0xFFFFFF80  }
0xd8: {  	_ =	swait.ge [sflag:s13], $0x80  }
0xd9: {  	[sflag:s13] =	ssyncset.done $0x0  }
0xda: {  	[sflag:s13] =	ssyncadd.s32 $0xFFFFFF80  }
0xdb: {  	_ =	swait.ge [sflag:s13], $0x80  }
0xdc: {  	[sflag:s13] =	ssyncset.done $0x0  }
0xdd: {  	[sflag:s13] =	ssyncadd.s32 $0xFFFFFF80  }
0xde: {  	_ =	swait.ge [sflag:s13], $0x80  }
0xdf: {  	[sflag:s13] =	ssyncset.done $0x0  }
0xe0: {  	[sflag:s13] =	ssyncadd.s32 $0xFFFFFF80  }
0xe1: {  	_ =	swait.ge [sflag:s13], $0x80  }
0xe2: {  	[sflag:s13] =	ssyncset.done $0x0  }
0xe3: {  	[sflag:s13] =	ssyncadd.s32 $0xFFFFFF80  }
0xe4: {  	_ =	swait.ge [sflag:s13], $0x80  }
0xe5: {  	[sflag:s13] =	ssyncset.done $0x0  }
0xe6: {  	[sflag:s13] =	ssyncadd.s32 $0xFFFFFF80  }
0xe7: {  	_ =	swait.ge [sflag:s13], $0x80  }
0xe8: {  	[sflag:s13] =	ssyncset.done $0x0  }
0xe9: {  	s3 =	sadd.s32 $0x1, s3;
	[sflag:s13] =	ssyncadd.s32 $0xFFFFFF80  }
0xea: {  	p1 =	sne.s32 s3, s8;
	[bflag:$0x0] =	sbarrier.arrive $0xFFFF  }
0xeb: {  	[hbm:s7@s16], [sflag:s14] =	dma.strided [spmem:s15@s17], $0x50, s13, $0x10   }
.Ltmp3:
0xec: {  	_ = 	snop;
	(pc) =	sbr.rel @p1 .LBB2_1-.Ltmp3, $4  }
.Ltmp4:
0xed: {  	_ = 	snop;
	(pc) =	sbr.rel @!p1 .LBB2_7-.Ltmp4, $4  }
0xee: {  	_ =	swait.ge [sflag:s10], $0x50  }
0xef: {  	[sflag:s10] =	ssyncset.done $0x0  }
0xf0: {  	[sflag:s10] =	ssyncadd.s32 $0xFFFFFFB0  }
0xf1: {  	_ = 	snop  }
.LBB2_3:
.Ltmp5:
0xf2: {  	(pc) =	sbr.rel .LBB2_6-.Ltmp5, $2  }
0xf3: {  	_ =	sdelay $0x2  }
0xf4: {  	s20 =	simm.s32 $0x1400  }
.LBB2_7:
0xf5: {  	_ =	sfence.sel $0x180000  }
0xf6: {  	[bflag:$0x0] =	sbarrier.arrive $0xFFFF  }
0xf7: {  	p0 =	sne.s32 s1, $0x0;
	_ =	strace $0x90000047  }
0xf8: {  	s0 =	sadd.s32 @!p0 $0x100000, s0;
	[bflag:$0x2] =	sbarrier.arrive $0xFFFF  }
0xf9: {  	[sflag:s0] =	ssyncadd.tile.s32 @!p0 $0x1;
	_ =	shalt  }
.Lfunc_end2:
_tile_overlayer_lowered:
.L_overlay_start_2:
0xfa: {  	(tag) =	ssettag $0x2  }
0xfb: {  	s0 =	rddreg [dreg:$0x0];
	s2 =	stileid.u32  }
0xfc: {  	s1 =	rddreg [dreg:$0x1];
	p0 =	sne.s32 s2, $0x0  }
0xfd: {  	s3 =	rddreg [dreg:$0x2];
	[bflag:$0x3] =	sbarrier.arrive $0xFFFF;
	s2 =	simm.s32 @!p0 $0x1C02  }
0xfe: {  	[timem:s3], [sflag:s2] =	dma.local @!p0 [hbm:s0], s1  }
0xff: {  	s0 =	simm.s32 @!p0 $0x2  }
0x100: {  	_ =	swait.ge @!p0 [sflag:s0], s1  }
0x101: {  	s1 =	ssub.s32 @!p0 $0x0, s1;
	[sflag:s0] =	ssyncset.done @!p0 $0x0  }
0x102: {  	[sflag:s0] =	ssyncadd.s32 @!p0 s1  }
0x103: {  	[bflag:$0x3] =	sbarrier.arrive $0xFFFF  }
0x104: {  	_ =	shalt  }

// kernel: kernel.9.cloned.1.call-start
scs
__scs_entry_jumppad:
0x0: {  	(pc) =	sbr.rel $0x88, $3  }
0x1: {  	(tag) =	ssettag $0x0;
	lr =	simm.s32 $0x1  }
0x2: {  	[smem:$0x3F99] =	sst lr;
	_ =	strace $0xD0000000  }
0x3: {  	_ = 	snop  }
0x4: {  	_ = 	snop  }
0x5: {  	_ = 	snop  }
0x6: {  	_ = 	snop  }
0x7: {  	_ = 	snop  }
__scs_overlays_trampoline_lowered:
0x8: {  	[smem:$0x3FA8] =	sst s0  }
0x9: {  	[smem:$0x3FA9] =	sst s1  }
0xa: {  	[smem:$0x3FAA] =	sst s2  }
0xb: {  	[smem:$0x3FAB] =	sst s3  }
0xc: {  	[smem:$0x3FAC] =	sst s4  }
0xd: {  	[smem:$0x3FAD] =	sst s5  }
0xe: {  	[smem:$0x3FAE] =	sst s6  }
0xf: {  	[smem:$0x3FAF] =	sst s7  }
0x10: {  	[smem:$0x3FB0] =	sst s8  }
0x11: {  	[smem:$0x3FB1] =	sst s9;
	s0 =	simm.s32 @!p0 $0x0  }
0x12: {  	s1 =	sld [smem:$0x3F97];
	s0 =	simm.s32 @p0 $0x1  }
0x13: {  	[smem:$0x3FB2] =	sst s0;
	s0 =	simm.s32 @!p1 $0x0  }
0x14: {  	s2 =	sld [smem:$0x3F96];
	s0 =	simm.s32 @p1 $0x1  }
0x15: {  	[smem:$0x3FB3] =	sst s0;
	s0 =	simm.s32 @!p2 $0x0  }
0x16: {  	s3 =	sld [smem:$0x3FDB];
	s0 =	simm.s32 @p2 $0x1  }
0x17: {  	s4 =	simm.s32 $0x1BF5;
	[smem:$0x3FB5] =	sst s0  }
0x18: {  	s0 =	sld [smem:$0x3F98];
	_ =	swait.ge [sflag:s4], $0x0  }
0x19: {  	s7 =	sld [smem:$0x3F99]  }
0x1a: {  	s8 =	sadd.s32 $0xFFFFE003, lr  }
0x1b: {  	s9 =	sadd.s32 $0xFFFFFEF7, lr;
	s5 =	simm.s32 $0xFFFFFFFF;
	p2 =	slt.u32 s8, $0xFFFFF086  }
0x1c: {  	p1 =	slt.u32 s9, $0xF7A;
	s5 =	simm.s32 @!p2 $0x0  }
0x1d: {  	s5 =	simm.s32 @p1 $0x1;
	p0 =	seq.s32 s7, s2  }
0x1e: {  	s7 =	smul.u32 @!p0 $0xF7A, s2;
	p2 =	seq.s32 @!p0 s5, $0x0  }
0x1f: {  	s9 =	smul.u32 $0xF7A, s1;
	s8 =	simm.s32 @!p0 $0x1BF5;
	p2 =	por !p2, p0  }
0x20: {  	[sflag:s8] =	ssyncset.s32 @!p0 $0xFFFFF086;
	s6 =	sadd.s32 @!p0 s3, s7;
	s7 =	simm.s32 @!p0 $0x108  }
0x21: {  	s3 =	sadd.s32 s3, s9;
	s6 =	sadd.s32 @!p0 $0x88, s6;
	s7 =	simm.s32 @p2 $0x1082  }
0x22: {  	[simem:s7], [sflag:s8] =	dma.local @!p0 [hbm:s6], $0xF7A  }
0x23: {  	s9 =	sor.u32 $0xD0000000, s2;
	s6 =	simm.s32 $0x108;
	_ =	swait.ge @!p0 [sflag:s8], $0x0  }
0x24: {  	s3 =	sadd.s32 $0x88, s3;
	s6 =	simm.s32 @!p1 $0x1082;
	[sflag:s4] =	ssyncset.s32 $0xFFFFF086  }
0x25: {  	[simem:s6], [sflag:s4] =	dma.local [hbm:s3], $0xF7A  }
0x26: {  	[smem:$0x3F99] =	sst s1;
	(tag) =	ssettag s2;
	_ =	strace s9  }
0x27: {  	s1 =	sld [smem:$0x3FA9]  }
0x28: {  	s2 =	sld [smem:$0x3FAA]  }
0x29: {  	s4 =	sld [smem:$0x3FAC]  }
0x2a: {  	p0 =	seq.s32 s5, $0x0;
	s5 =	sld [smem:$0x3FAD]  }
0x2b: {  	s6 =	sld [smem:$0x3FAE]  }
0x2c: {  	s7 =	sld [smem:$0x3FAF]  }
0x2d: {  	s3 =	simm.s32 $0x108;
	s8 =	sld [smem:$0x3FB0]  }
0x2e: {  	s3 =	simm.s32 @!p0 $0x1082;
	s9 =	sld [smem:$0x3FB1]  }
0x2f: {  	lr =	sadd.s32 s0, s3;
	s0 =	sld [smem:$0x3FA8]  }
0x30: {  	s3 =	sld [smem:$0x3FAB]  }
0x31: {  	[smem:$0x3FB4] =	sst s10  }
0x32: {  	s10 =	sld [smem:$0x3FB2];
	_ =	sdelay $0x3  }
0x33: {  	p0 =	seq.s32 s10, $0x1;
	s10 =	sld [smem:$0x3FB4];
	_ =	sdelay $0x3  }
0x34: {  	[smem:$0x3FB4] =	sst s10  }
0x35: {  	s10 =	sld [smem:$0x3FB3];
	_ =	sdelay $0x3  }
0x36: {  	p1 =	seq.s32 s10, $0x1;
	s10 =	sld [smem:$0x3FB4];
	_ =	sdelay $0x3  }
0x37: {  	[smem:$0x3FB4] =	sst s10  }
0x38: {  	s10 =	sld [smem:$0x3FB5]  }
0x39: {  	_ = 	snop;
	(pc) =	sbr.ind lr, $3  }
0x3a: {  	_ = 	snop  }
0x3b: {  	_ = 	snop  }
0x3c: {  	p2 =	seq.s32 s10, $0x1;
	s10 =	sld [smem:$0x3FB4]  }
0x3d: {  	_ =	shalt  }
0x3e: {  	_ =	shalt  }
0x3f: {  	_ =	shalt  }
0x40: {  	_ =	shalt  }
0x41: {  	_ =	shalt  }
0x42: {  	_ =	shalt  }
0x43: {  	_ =	shalt  }
0x44: {  	_ =	shalt  }
0x45: {  	_ =	shalt  }
0x46: {  	_ =	shalt  }
0x47: {  	_ =	shalt  }
0x48: {  	_ =	shalt  }
0x49: {  	_ =	shalt  }
0x4a: {  	_ =	shalt  }
0x4b: {  	_ =	shalt  }
0x4c: {  	_ =	shalt  }
0x4d: {  	_ =	shalt  }
0x4e: {  	_ =	shalt  }
0x4f: {  	_ =	shalt  }
0x50: {  	_ =	shalt  }
0x51: {  	_ =	shalt  }
0x52: {  	_ =	shalt  }
0x53: {  	_ =	shalt  }
0x54: {  	_ =	shalt  }
0x55: {  	_ =	shalt  }
0x56: {  	_ =	shalt  }
0x57: {  	_ =	shalt  }
0x58: {  	_ =	shalt  }
0x59: {  	_ =	shalt  }
0x5a: {  	_ =	shalt  }
0x5b: {  	_ =	shalt  }
0x5c: {  	_ =	shalt  }
0x5d: {  	_ =	shalt  }
0x5e: {  	_ =	shalt  }
0x5f: {  	_ =	shalt  }
0x60: {  	_ =	shalt  }
0x61: {  	_ =	shalt  }
0x62: {  	_ =	shalt  }
0x63: {  	_ =	shalt  }
0x64: {  	_ =	shalt  }
0x65: {  	_ =	shalt  }
0x66: {  	_ =	shalt  }
0x67: {  	_ =	shalt  }
0x68: {  	_ =	shalt  }
0x69: {  	_ =	shalt  }
0x6a: {  	_ =	shalt  }
0x6b: {  	_ =	shalt  }
0x6c: {  	_ =	shalt  }
0x6d: {  	_ =	shalt  }
0x6e: {  	_ =	shalt  }
0x6f: {  	_ =	shalt  }
0x70: {  	_ =	shalt  }
0x71: {  	_ =	shalt  }
0x72: {  	_ =	shalt  }
0x73: {  	_ =	shalt  }
0x74: {  	_ =	shalt  }
0x75: {  	_ =	shalt  }
0x76: {  	_ =	shalt  }
0x77: {  	_ =	shalt  }
0x78: {  	_ =	shalt  }
0x79: {  	_ =	shalt  }
0x7a: {  	_ =	shalt  }
0x7b: {  	_ =	shalt  }
0x7c: {  	_ =	shalt  }
0x7d: {  	_ =	shalt  }
0x7e: {  	_ =	shalt  }
0x7f: {  	_ =	shalt  }
0x80: {  	_ =	shalt  }
0x81: {  	_ =	shalt  }
0x82: {  	_ =	shalt  }
0x83: {  	_ =	shalt  }
0x84: {  	_ =	shalt  }
0x85: {  	_ =	shalt  }
0x86: {  	_ =	shalt  }
0x87: {  	_ =	shalt  }
.Lfunc_end0:
.L_simem_size_0:
called_computation.1_lowered:
.L_overlay_start_0:
0x88: {  	s2 =	sld [smem:$0x3FD9]  }
0x89: {  	s3 =	sld [smem:$0x3FFE];
	_ =	sdelay $0x1  }
0x8a: {  	s1 =	srdreg.scid  }
0x8b: {  	s0 =	sand.u32 $0x1, s1  }
0x8c: {  	s17 =	sshll.u32 s0, $0xA;
	s2 =	sadd.s32 s3, s2  }
0x8d: {  	s2 =	sadd.s32 s2, s17  }
0x8e: {  	[smem:$0x3FC0] =	sst s2  }
0x8f: {  	_ = 	snop  }
0x90: {  	s2 =	sld [smem:$0x3FD0];
	(tm) =	ssettm $0x1  }
0x91: {  	s18 =	sld [smem:$0x3FFB];
	_ =	sdelay $0x3  }
0x92: {  	_ =	strace s18  }
0x93: {  	s3 =	sld [smem:$0x3FFC];
	_ =	sdelay $0x3  }
0x94: {  	_ =	strace s3  }
0x95: {  	s3 =	sld [smem:$0x3FFD];
	_ =	sdelay $0x3  }
0x96: {  	_ =	strace s3  }
0x97: {  	_ =	strace $0x8FFFFFFF  }
0x98: {  	s19 =	sld [smem:$0x3FDB];
	_ =	sdelay $0x1  }
0x99: {  	s4 =	simm.s32 $_scs_section_size  }
0x9a: {  	s5 =	simm.s32 $_size__tile_overlayer_lowered;
	s6 =	simm.s32 $_tile_overlayer_lowered  }
0x9b: {  	s22 =	simm.s32 $0x1BFF;
	s21 =	sshll.u32 s6, $0x1;
	s3 =	sadd.s32 s4, s19  }
0x9c: {  	s7 =	simm.s32 $0x0;
	s20 =	sshll.u32 s5, $0x1;
	s5 =	sadd.s32 s21, s3  }
0x9d: {  	[timem:s7], [sflag:s22] =	dma.local [hbm:s5], s20  }
0x9e: {  	_ =	swait.ge [sflag:s22], s20  }
0x9f: {  	s4 =	ssub.s32 $0x0, s20;
	[sflag:s22] =	ssyncset.done $0x0  }
0xa0: {  	[sflag:s22] =	ssyncadd.s32 s4;
	_ =	sdelay $0x1  }
0xa1: {  	s23 =	simm.s32 $0x1B8B  }
0xa2: {  	_ =	swait.ge [sflag:s23], $0x1  }
0xa3: {  	[sflag:s23] =	ssyncset.done $0x0  }
0xa4: {  	s25 =	simm.s32 $0x1B8E;
	s24 =	sld [smem:$0x3FFE];
	[sflag:s23] =	ssyncadd.s32 $0xFFFFFFFF  }
0xa5: {  	s26 =	simm.s32 $execute0_lowered;
	[smem:$0x3FD2] =	sst s25  }
0xa6: {  	s5 =	sshll.u32 s26, $0x1;
	_ =	strace $0x80000049;
	[dreg:$0x1] =	wrdreg $0xFFFFFFFF  }
0xa7: {  	s28 =	simm.s32 $_size_execute0_lowered;
	s3 =	sadd.s32 s3, s5;
	[dreg:$0x0] =	wrdreg $0x0  }
0xa8: {  	s5 =	sshll.u32 s28, $0x1;
	[dreg:$0x2] =	wrdreg s3  }
0xa9: {  	[dreg:$0x3] =	wrdreg s5  }
0xaa: {  	[dreg:$0x4] =	wrdreg $0xC0  }
0xab: {  	_ =	task [dreg:s7], $0x5FFFF  }
0xac: {  	[dreg:$0x1] =	wrdreg $0xFFFFFFFF  }
0xad: {  	[dreg:$0x0] =	wrdreg $0x60  }
0xae: {  	[dreg:$0x2] =	wrdreg s2  }
0xaf: {  	[dreg:$0x3] =	wrdreg s24  }
0xb0: {  	[dreg:$0x4] =	wrdreg $0x0  }
0xb1: {  	[dreg:$0x5] =	wrdreg $0x9  }
0xb2: {  	_ =	task.clear_ibuf [dreg:s7], $0x6FFFF;
	_ =	strace $0x90000049  }
0xb3: {  	s29 =	simm.s32 $0x9;
	_ =	strace $0x8000004B  }
0xb4: {  	_ =	swait.ge [sflag:s29], $0x1  }
0xb5: {  	[sflag:s29] =	ssyncadd.s32 $0xFFFFFFFF  }
0xb6: {  	_ =	strace $0x9000004B  }
0xb7: {  	_ =	sfence  }
0xb8: {  	s30 =	sld [smem:$0x0];
	_ =	sdelay $0x2  }
0xb9: {  	s31 =	sshll.u32 s1, $0xD;
	s1 =	sshrl.u32 s1, $0x2  }
0xba: {  	s3 =	sand.u32 $0x4000, s31;
	s1 =	sadd.s32 s1, s30  }
0xbb: {  	s0 =	sor.u32 s3, s0;
	s1 =	sshll.u32 s1, $0x11  }
0xbc: {  	s0 =	sor.u32 s1, s0  }
0xbd: {  	s0 =	sadd.s32 $0x8F2B, s0  }
0xbe: {  	[sflag:s0] =	ssyncadd.remote.s32 $0x1  }
0xbf: {  	_ =	sfence.sel $0xFFFF  }
0xc0: {  	[dreg:$0x0] =	wrdreg $0xFFFFFFFF;
	(pc) =	sbr.abs _section_cstart, $3  }
0xc1: {  	[dreg:$0x1] =	wrdreg $0xFFFFFFFF  }
0xc2: {  	_ =	task.clear_ibuf [dreg:s7], $0x2FFFF;
	_ =	strace $0x9FFFFFFF  }
0xc3: {  	(tm) =	ssettm $0x7FFFFFFF  }
tec
execute0_lowered:
.L_overlay_start_1:
0x0: {  	(tag) =	ssettag $0x1  }
0x1: {  	s1 =	rddreg [dreg:$0x0]  }
0x2: {  	s0 =	srdreg.scid;
	s2 =	rddreg [dreg:$0x1]  }
0x3: {  	s15 =	stileid.u32;
	s3 =	rddreg [dreg:$0x2]  }
0x4: {  	s4 =	simm.s32 $0x0;
	s11 =	simm.s32 $0x4F;
	s6 =	smul.u32 $0x14000, s15  }
0x5: {  	s28 =	simm.s32 $0x4;
	s30 =	simm.s32 $0x5;
	s9 =	smul.u32 $0x50000, s15  }
0x6: {  	s31 =	simm.s32 $0x7;
	s0 =	sand.u32 $0x1, s0;
	s25 =	smul.u32 $0x4E, s15  }
0x7: {  	[smem:$0x7FF] =	sst s4;
	s5 =	smul.u32 $0x140000, s0;
	s14 =	ssub.s32 $0x2, s0  }
0x8: {  	_ =	strace $0x8000004A;
	s7 =	sshll.u32 s0, $0x4;
	s8 =	sshrl.u32 s14, $0x1  }
0x9: {  	s7 =	sor.u32 s15, s7;
	s9 =	sshrl.u32 s9, $0x2;
	s6 =	sadd.s32 s6, s5  }
0xa: {  	s5 =	sadd.s32 $0x2000, s2;
	s16 =	smul.u32 $0x4E, s7;
	p0 =	slt.u32 s7, $0x4  }
0xb: {  	s10 =	smin.u32 s7, $0x4;
	s6 =	sshrl.u32 s6, $0x3;
	s11 =	simm.s32 @!p0 $0x4E  }
0xc: {  	s2 =	sadd.s32 s6, s2;
	s12 =	sadd.s32 s10, s16;
	s16 =	sadd.s32 $0xFFFFFFFE, s11  }
0xd: {  	s6 =	sadd.s32 s9, s3;
	s11 =	sadd.s32 $0xFFFFFFFD, s11;
	[dreg:$0x4] =	wrdreg s16  }
0xe: {  	s8 =	ssub.s32 s14, s8;
	s9 =	sadd.s32 $0x4000, s6;
	[dreg:$0x6] =	wrdreg s11  }
0xf: {  	p0 =	sgt.u32 s7, $0x3;
	s17 =	sadd.s32 $0x8000, s6;
	[dreg:$0x8] =	wrdreg s9  }
0x10: {  	s18 =	sshll.u32 s12, $0x7;
	s13 =	sadd.s32 $0xC000, s6;
	[dreg:$0x9] =	wrdreg s17  }
0x11: {  	s19 =	sadd.s32 $0x10000, s6;
	s12 =	sshll.u32 s12, $0x4;
	[dreg:$0xa] =	wrdreg s13  }
0x12: {  	s16 =	sadd.s32 $0x15A00, s2;
	[dreg:$0xb] =	wrdreg s19;
	s20 =	sadd.s32 $0x4E400, s18  }
0x13: {  	s14 =	sshrl.u32 s18, $0x3;
	s9 =	sadd.s32 $0x4E480, s18;
	s18 =	smul.u32 $0x27000, s0  }
0x14: {  	s12 =	sadd.s32 s5, s12;
	s0 =	smul.u32 $0x4E0, s0;
	s19 =	sshll.u32 s10, $0x7  }
0x15: {  	s17 =	smax.u32 s8, $0x1;
	s13 =	sshrl.u32 s20, $0x3;
	[dreg:$0xc] =	wrdreg s12  }
0x16: {  	s22 =	sadd.s32 s5, s14;
	s9 =	sshrl.u32 s9, $0x3;
	s14 =	smul.u32 $0x2700, s15  }
0x17: {  	s20 =	simm.s32 $0x1;
	s21 =	sadd.s32 s5, s13;
	s23 =	sadd.s32 $0x10, s22  }
0x18: {  	s9 =	sadd.s32 s5, s9;
	s0 =	sor.u32 s0, s10;
	[dreg:$0xd] =	wrdreg s21  }
0x19: {  	s29 =	sor.u32 s19, s18;
	s22 =	simm.s32 $0x1C100;
	[dreg:$0xe] =	wrdreg s23  }
0x1a: {  	[dreg:$0xf] =	wrdreg s9;
	s24 =	sadd.s32 s14, s18;
	s0 =	sadd.s32 s25, s0  }
0x1b: {  	s21 =	simm.s32 $0x1C000;
	s9 =	sadd.s32 s19, s24;
	s0 =	sshll.u32 s0, $0x4  }
0x1c: {  	s23 =	simm.s32 $0x1C080;
	s9 =	sadd.s32 $0x180, s9;
	s0 =	sadd.s32 s0, s5  }
0x1d: {  	s25 =	simm.s32 $0x3;
	s26 =	sshrl.u32 s9, $0x3;
	s0 =	sadd.s32 $0x20, s0  }
0x1e: {  	s19 =	simm.s32 $0x14000;
	s2 =	sadd.s32 s26, s5;
	[dreg:$0x5] =	wrdreg s0  }
0x1f: {  	v0 =	vimm.f32 $0.0e+00;
	s26 =	simm.s32 $0x80;
	[dreg:$0x7] =	wrdreg s2;
	s2 =	simm.s32 $0x2  }
.LBB2_1:
0x20: {  	s0 =	simm.s32 $0x0;
	s7 =	simm.s32 $0x200  }
.LBB2_2:
0x21: {  	p1 =	sne.s32 s7, $0xFE00;
	[tilespmem:s0+$0x14070] =	vst v0  }
0x22: {  	[tilespmem:s0+$0x14000] =	vst v0  }
0x23: {  	[tilespmem:s0+$0x14010] =	vst v0  }
.Ltmp0:
0x24: {  	[tilespmem:s0+$0x14020] =	vst v0;
	(pc) =	sbr.rel @p1 .LBB2_2-.Ltmp0, $4  }
0x25: {  	[tilespmem:s0+$0x14030] =	vst v0  }
0x26: {  	[tilespmem:s0+$0x14040] =	vst v0  }
0x27: {  	[tilespmem:s0+$0x14050] =	vst v0  }
0x28: {  	[tilespmem:s0+$0x14060] =	vst v0;
	s0 =	sshra.s32 s7, $0x2;
	s7 =	sadd.s32 $0x200, s7  }
0x29: {  	[tilespmem:s0+$0x14070] =	vst v0  }
0x2a: {  	[tilespmem:s0+$0x14000] =	vst v0  }
0x2b: {  	[tilespmem:s0+$0x14010] =	vst v0  }
0x2c: {  	[tilespmem:s0+$0x14020] =	vst v0  }
0x2d: {  	[tilespmem:s0+$0x14030] =	vst v0  }
0x2e: {  	[tilespmem:s0+$0x14040] =	vst v0  }
0x2f: {  	[tilespmem:s0+$0x14050] =	vst v0  }
0x30: {  	[tilespmem:s0+$0x14060] =	vst v0  }
0x31: {  	[spmem:s6] =	stream.linear.scatter [tilespmem:s19], [sflag:$0x1], $0x4000, $0x38;
	[tilespmem:$0x1C200] =	vst v63  }
0x32: {  	s24 =	rddreg [dreg:$0x8]  }
0x33: {  	[spmem:s24] =	stream.linear.scatter [tilespmem:s19], [sflag:$0x1], $0x4000, $0x38;
	[tilespmem:$0x1C200] =	vst v63  }
0x34: {  	s7 =	rddreg [dreg:$0x9]  }
0x35: {  	[spmem:s7] =	stream.linear.scatter [tilespmem:s19], [sflag:$0x1], $0x4000, $0x38;
	[tilespmem:$0x1C200] =	vst v63  }
0x36: {  	s8 =	rddreg [dreg:$0xa]  }
0x37: {  	[spmem:s8] =	stream.linear.scatter [tilespmem:s19], [sflag:$0x1], $0x4000, $0x38;
	[tilespmem:$0x1C200] =	vst v63  }
0x38: {  	s9 =	rddreg [dreg:$0xb]  }
0x39: {  	[spmem:s9] =	stream.linear.scatter [tilespmem:s19], [sflag:$0x1], $0x4000, $0x38;
	[tilespmem:$0x1C200] =	vst v63  }
0x3a: {  	_ =	swait.ge [sflag:s20], $0x4000  }
0x3b: {  	[sflag:s20] =	ssyncset.done $0x0  }
0x3c: {  	[sflag:s20] =	ssyncadd.s32 $0xFFFFC000  }
0x3d: {  	_ =	swait.ge [sflag:s20], $0x4000  }
0x3e: {  	[sflag:s20] =	ssyncset.done $0x0  }
0x3f: {  	[sflag:s20] =	ssyncadd.s32 $0xFFFFC000  }
0x40: {  	_ =	swait.ge [sflag:s20], $0x4000  }
0x41: {  	[sflag:s20] =	ssyncset.done $0x0  }
0x42: {  	[sflag:s20] =	ssyncadd.s32 $0xFFFFC000  }
0x43: {  	_ =	swait.ge [sflag:s20], $0x4000  }
0x44: {  	[sflag:s20] =	ssyncset.done $0x0  }
0x45: {  	[sflag:s20] =	ssyncadd.s32 $0xFFFFC000  }
0x46: {  	_ =	swait.ge [sflag:s20], $0x4000  }
0x47: {  	[sflag:s20] =	ssyncset.done $0x0  }
0x48: {  	[sflag:s20] =	ssyncadd.s32 $0xFFFFC000  }
0x49: {  	[bflag:$0x0] =	sbarrier.arrive $0xFFFF  }
0x4a: {  	s10 =	simm.s32 $0x0;
	s7 =	rddreg [dreg:$0xc]  }
0x4b: {  	[tilespmem:s21], [sflag:$0x3] =	stream.linear.gather [hbm4b:s7+s10], $0x80, $0x38;
	[tilespmem:$0x1C200] =	vst v63  }
0x4c: {  	s11 =	rddreg [dreg:$0xd]  }
0x4d: {  	[tilespmem:s22], [sflag:$0x5] =	stream.linear.gather [hbm4b:s11+s10], $0x80, $0x38;
	[tilespmem:$0x1C200] =	vst v63  }
0x4e: {  	s12 =	rddreg [dreg:$0xe]  }
0x4f: {  	[tilespmem:s23], [sflag:$0x4] =	stream.linear.gather [hbm4b:s12+s10], $0x80, $0x38;
	[tilespmem:$0x1C200] =	vst v63  }
0x50: {  	s8 =	simm.s32 $0x1C180;
	s13 =	rddreg [dreg:$0xf]  }
0x51: {  	[tilespmem:s8], [sflag:$0x6] =	stream.linear.gather [hbm4b:s13+s10], $0x80, $0x38;
	[tilespmem:$0x1C200] =	vst v63  }
0x52: {  	_ =	swait.ge [sflag:s25], $0x80  }
0x53: {  	[sflag:s25] =	ssyncset.done $0x0  }
0x54: {  	[sflag:s25] =	ssyncadd.s32 $0xFFFFFF80  }
0x55: {  	[tilespmem:s19], [sflag:$0x1] =	stream.indirect.gather [hbm4b:s1+s26], $0x80, s21, s26, $0xb8;
	[tilespmem:$0x1C200] =	vst v63  }
0x56: {  	_ =	swait.ge [sflag:s28], $0x80  }
0x57: {  	[sflag:s28] =	ssyncset.done $0x0  }
0x58: {  	s15 =	simm.s32 $0x18000;
	[sflag:s28] =	ssyncadd.s32 $0xFFFFFF80  }
0x59: {  	[tilespmem:s15], [sflag:$0x2] =	stream.indirect.gather [hbm4b:s1+s26], $0x80, s23, s26, $0xb8;
	[tilespmem:$0x1C200] =	vst v63  }
0x5a: {  	_ =	swait.ge [sflag:s20], $0x4000  }
0x5b: {  	s18 =	rddreg [dreg:$0x4];
	[sflag:s20] =	ssyncset.done $0x0  }
0x5c: {  	s7 =	rddreg [dreg:$0x5];
	[sflag:s20] =	ssyncadd.s32 $0xFFFFC000;
	p1 =	sle.u32 s18, $0x0  }
0x5d: {  	s0 =	sadd.s32 @!p1 $0x0, s7;
	s7 =	simm.s32 @!p1 $0x0;
	s8 =	simm.s32 @!p1 $0x1C000  }
0x5e: {  	[tilespmem:s8], [sflag:$0x3] =	stream.linear.gather @!p1 [hbm4b:s0+s7], $0x80, $0x38;
	[tilespmem:$0x1C200] =	vst v63  }
0x5f: {  	s0 =	sadd.s32 @!p1 s29, s14;
	_ =	swait.ge [sflag:s30], $0x80  }
0x60: {  	s0 =	sadd.s32 @!p1 $0x100, s0;
	[sflag:s30] =	ssyncset.done $0x0  }
0x61: {  	s0 =	sand.u32 @!p1 $0x7FFFFF80, s0;
	[sflag:s30] =	ssyncadd.s32 $0xFFFFFF80  }
0x62: {  	[spmem:s3] =	stream.indirect.scatter.add.f32 [tilespmem:s19], [sflag:$0x7], $0x80, s22, s26, $0xb8;
	[tilespmem:$0x1C200] =	vst v63  }
0x63: {  	s0 =	sadd.s32 @!p1 $0x4E400, s0;
	_ =	swait.ge [sflag:s31], $0x4000  }
0x64: {  	s9 =	simm.s32 @!p1 $0x3;
	s0 =	sshrl.u32 @!p1 s0, $0x3;
	[sflag:s31] =	ssyncset.done $0x0  }
0x65: {  	s10 =	simm.s32 @!p1 $0x1C100;
	s0 =	sadd.s32 @!p1 s5, s0;
	[sflag:s31] =	ssyncadd.s32 $0xFFFFC000  }
0x66: {  	[tilespmem:s10], [sflag:$0x5] =	stream.linear.gather @!p1 [hbm4b:s0+s7], $0x80, $0x38;
	[tilespmem:$0x1C200] =	vst v63  }
0x67: {  	_ =	swait.ge @!p1 [sflag:s9], $0x80  }
0x68: {  	[sflag:s9] =	ssyncset.done @!p1 $0x0  }
0x69: {  	s0 =	simm.s32 @!p1 $0x80;
	s7 =	simm.s32 @!p1 $0x14000;
	[sflag:s9] =	ssyncadd.s32 @!p1 $0xFFFFFF80  }
0x6a: {  	[tilespmem:s7], [sflag:$0x1] =	stream.indirect.gather @!p1 [hbm4b:s1+s0], $0x80, s8, s0, $0xb8;
	[tilespmem:$0x1C200] =	vst v63  }
0x6b: {  	_ =	swait.ge [sflag:s2], $0x4000  }
0x6c: {  	s24 =	rddreg [dreg:$0x6]  }
0x6d: {  	[sflag:s2] =	ssyncset.done $0x0;
	p2 =	sle.u32 s24, $0x0  }
0x6e: {  	[sflag:s2] =	ssyncadd.s32 $0xFFFFC000;
	s0 =	simm.s32 @p2 $0x6  }
0x6f: {  	_ =	swait.ge @p2 [sflag:s0], $0x80  }
0x70: {  	s7 =	simm.s32 @p2 $0x18000;
	s8 =	simm.s32 @p2 $0x7;
	[sflag:s0] =	ssyncset.done @p2 $0x0  }
0x71: {  	s9 =	simm.s32 @p2 $0x1C180;
	[sflag:s0] =	ssyncadd.s32 @p2 $0xFFFFFF80;
	s0 =	simm.s32 @p2 $0x80  }
0x72: {  	[spmem:s3] =	stream.indirect.scatter.add.f32 @p2 [tilespmem:s7], [sflag:$0x7], $0x80, s9, s0, $0xb8;
	[tilespmem:$0x1C200] =	vst v63  }
0x73: {  	s10 =	simm.s32 @!p2 $0x6;
	s11 =	simm.s32 @!p2 $0x0;
	_ =	swait.ge @p2 [sflag:s8], $0x4000  }
0x74: {  	s7 =	sadd.s32 @!p2 s29, s14;
	s0 =	rddreg [dreg:$0x7];
	[sflag:s8] =	ssyncset.done @p2 $0x0  }
0x75: {  	[sflag:s8] =	ssyncadd.s32 @p2 $0xFFFFC000;
	s0 =	sadd.s32 @!p2 $0x0, s0;
	s8 =	simm.s32 @!p2 $0x1C080  }
0x76: {  	[tilespmem:s8], [sflag:$0x4] =	stream.linear.gather @!p2 [hbm4b:s0+s11], $0x80, $0x38;
	[tilespmem:$0x1C200] =	vst v63  }
0x77: {  	s18 =	simm.s32 @!p2 $0x1C180;
	s7 =	sadd.s32 @!p2 $0x180, s7;
	_ =	swait.ge @!p2 [sflag:s10], $0x80  }
0x78: {  	s9 =	simm.s32 @!p2 $0x18000;
	s0 =	sand.u32 @!p2 $0x7FFFFF80, s7;
	[sflag:s10] =	ssyncset.done @!p2 $0x0  }
0x79: {  	s7 =	simm.s32 @!p2 $0x7;
	[sflag:s10] =	ssyncadd.s32 @!p2 $0xFFFFFF80;
	s10 =	simm.s32 @!p2 $0x80  }
0x7a: {  	[spmem:s3] =	stream.indirect.scatter.add.f32 @!p2 [tilespmem:s9], [sflag:$0x7], $0x80, s18, s10, $0xb8;
	[tilespmem:$0x1C200] =	vst v63  }
0x7b: {  	s0 =	sadd.s32 @!p2 $0x4E400, s0;
	_ =	swait.ge @!p2 [sflag:s7], $0x4000  }
0x7c: {  	s0 =	sshrl.u32 @!p2 s0, $0x3;
	[sflag:s7] =	ssyncset.done @!p2 $0x0  }
0x7d: {  	s0 =	sadd.s32 @!p2 s5, s0;
	[sflag:s7] =	ssyncadd.s32 @!p2 $0xFFFFC000  }
0x7e: {  	[tilespmem:s18], [sflag:$0x6] =	stream.linear.gather @!p2 [hbm4b:s0+s11], $0x80, $0x38;
	[tilespmem:$0x1C200] =	vst v63  }
0x7f: {  	s24 =	simm.s32 $0x2;
	s11 =	simm.s32 @!p2 $0x4  }
0x80: {  	s0 =	simm.s32 $0x20;
	s18 =	smov.u32 s29;
	_ =	swait.ge @!p2 [sflag:s11], $0x80  }
.LBB2_4:
0x81: {  	[sflag:s11] =	ssyncset.done @!p2 $0x0  }
0x82: {  	[sflag:s11] =	ssyncadd.s32 @!p2 $0xFFFFFF80  }
0x83: {  	[tilespmem:s9], [sflag:$0x2] =	stream.indirect.gather @!p2 [hbm4b:s1+s10], $0x80, s8, s10, $0xb8;
	[tilespmem:$0x1C200] =	vst v63  }
0x84: {  	s18 =	sadd.s32 $0x100, s18;
	_ =	swait.ge [sflag:s20], $0x4000  }
0x85: {  	s7 =	smov.u32 s0;
	s13 =	rddreg [dreg:$0x4];
	[sflag:s20] =	ssyncset.done $0x0  }
0x86: {  	s9 =	rddreg [dreg:$0x5];
	[sflag:s20] =	ssyncadd.s32 $0xFFFFC000;
	p2 =	sge.u32 s24, s13  }
0x87: {  	s8 =	sadd.s32 @!p2 s7, s9;
	s9 =	simm.s32 @!p2 $0x0;
	s10 =	simm.s32 @!p2 $0x1C000  }
0x88: {  	[tilespmem:s10], [sflag:$0x3] =	stream.linear.gather @!p2 [hbm4b:s8+s9], $0x80, $0x38;
	[tilespmem:$0x1C200] =	vst v63  }
0x89: {  	s8 =	sadd.s32 @!p2 s18, s14;
	_ =	swait.ge [sflag:s30], $0x80  }
0x8a: {  	s8 =	sadd.s32 @!p2 $0x100, s8;
	[sflag:s30] =	ssyncset.done $0x0  }
0x8b: {  	s8 =	sand.u32 @!p2 $0x7FFFFF80, s8;
	[sflag:s30] =	ssyncadd.s32 $0xFFFFFF80  }
0x8c: {  	[spmem:s3] =	stream.indirect.scatter.add.f32 [tilespmem:s19], [sflag:$0x7], $0x80, s22, s26, $0xb8;
	[tilespmem:$0x1C200] =	vst v63  }
0x8d: {  	s8 =	sadd.s32 @!p2 $0x4E400, s8;
	_ =	swait.ge [sflag:s31], $0x4000  }
0x8e: {  	s11 =	simm.s32 @!p2 $0x3;
	s8 =	sshrl.u32 @!p2 s8, $0x3;
	[sflag:s31] =	ssyncset.done $0x0  }
0x8f: {  	s12 =	simm.s32 @!p2 $0x1C100;
	s8 =	sadd.s32 @!p2 s5, s8;
	[sflag:s31] =	ssyncadd.s32 $0xFFFFC000  }
0x90: {  	[tilespmem:s12], [sflag:$0x5] =	stream.linear.gather @!p2 [hbm4b:s8+s9], $0x80, $0x38;
	[tilespmem:$0x1C200] =	vst v63  }
0x91: {  	_ =	swait.ge @!p2 [sflag:s11], $0x80  }
0x92: {  	[sflag:s11] =	ssyncset.done @!p2 $0x0  }
0x93: {  	s8 =	simm.s32 @!p2 $0x80;
	s9 =	simm.s32 @!p2 $0x14000;
	[sflag:s11] =	ssyncadd.s32 @!p2 $0xFFFFFF80  }
0x94: {  	[tilespmem:s9], [sflag:$0x1] =	stream.indirect.gather @!p2 [hbm4b:s1+s8], $0x80, s10, s8, $0xb8;
	[tilespmem:$0x1C200] =	vst v63  }
0x95: {  	_ =	swait.ge [sflag:s2], $0x4000  }
0x96: {  	s15 =	rddreg [dreg:$0x6]  }
0x97: {  	[sflag:s2] =	ssyncset.done $0x0;
	p2 =	sge.u32 s24, s15  }
0x98: {  	s0 =	sadd.s32 $0x20, s0;
	[sflag:s2] =	ssyncadd.s32 $0xFFFFC000;
	s8 =	simm.s32 @p2 $0x6  }
0x99: {  	s9 =	sadd.s32 @!p2 s18, s14;
	s10 =	simm.s32 @p2 $0x18000;
	_ =	swait.ge @p2 [sflag:s8], $0x80  }
0x9a: {  	s11 =	simm.s32 @p2 $0x7;
	s12 =	simm.s32 @p2 $0x1C180;
	[sflag:s8] =	ssyncset.done @p2 $0x0  }
0x9b: {  	s9 =	sadd.s32 @!p2 $0x180, s9;
	[sflag:s8] =	ssyncadd.s32 @p2 $0xFFFFFF80;
	s8 =	simm.s32 @p2 $0x80  }
0x9c: {  	[spmem:s3] =	stream.indirect.scatter.add.f32 @p2 [tilespmem:s10], [sflag:$0x7], $0x80, s12, s8, $0xb8;
	[tilespmem:$0x1C200] =	vst v63  }
0x9d: {  	s13 =	simm.s32 @!p2 $0x0;
	s8 =	sand.u32 @!p2 $0x7FFFFF80, s9;
	_ =	swait.ge @p2 [sflag:s11], $0x4000  }
0x9e: {  	s10 =	simm.s32 @!p2 $0x6;
	s8 =	sadd.s32 @!p2 $0x4E400, s8;
	[sflag:s11] =	ssyncset.done @p2 $0x0  }
0x9f: {  	s9 =	rddreg [dreg:$0x7];
	s8 =	sshrl.u32 @!p2 s8, $0x3;
	[sflag:s11] =	ssyncadd.s32 @p2 $0xFFFFC000  }
0xa0: {  	s12 =	sadd.s32 @!p2 s5, s8;
	s7 =	sadd.s32 @!p2 s7, s9;
	s8 =	simm.s32 @!p2 $0x1C080  }
0xa1: {  	[tilespmem:s8], [sflag:$0x4] =	stream.linear.gather @!p2 [hbm4b:s7+s13], $0x80, $0x38;
	[tilespmem:$0x1C200] =	vst v63  }
0xa2: {  	p1 =	sne.s32 s0, $0x4E0;
	_ =	swait.ge @!p2 [sflag:s10], $0x80  }
0xa3: {  	s15 =	simm.s32 @!p2 $0x1C180;
	s9 =	simm.s32 @!p2 $0x18000;
	[sflag:s10] =	ssyncset.done @!p2 $0x0  }
0xa4: {  	s7 =	simm.s32 @!p2 $0x7;
	[sflag:s10] =	ssyncadd.s32 @!p2 $0xFFFFFF80;
	s10 =	simm.s32 @!p2 $0x80  }
0xa5: {  	[spmem:s3] =	stream.indirect.scatter.add.f32 @!p2 [tilespmem:s9], [sflag:$0x7], $0x80, s15, s10, $0xb8;
	[tilespmem:$0x1C200] =	vst v63  }
.Ltmp1:
0xa6: {  	_ =	swait.ge @!p2 [sflag:s7], $0x4000;
	(pc) =	sbr.rel @p1 .LBB2_4-.Ltmp1, $4  }
0xa7: {  	[sflag:s7] =	ssyncset.done @!p2 $0x0  }
0xa8: {  	s11 =	simm.s32 @!p2 $0x4;
	[sflag:s7] =	ssyncadd.s32 @!p2 $0xFFFFC000  }
0xa9: {  	[tilespmem:s15], [sflag:$0x6] =	stream.linear.gather @!p2 [hbm4b:s12+s13], $0x80, $0x38;
	[tilespmem:$0x1C200] =	vst v63  }
0xaa: {  	s24 =	sadd.s32 $0x2, s24;
	_ =	swait.ge @!p2 [sflag:s11], $0x80  }
0xab: {  	[sflag:s11] =	ssyncset.done @!p2 $0x0  }
0xac: {  	s0 =	simm.s32 @!p0 $0x1;
	[sflag:s11] =	ssyncadd.s32 @!p2 $0xFFFFFF80  }
0xad: {  	[tilespmem:s9], [sflag:$0x2] =	stream.indirect.gather @!p2 [hbm4b:s1+s10], $0x80, s8, s10, $0xb8;
	[tilespmem:$0x1C200] =	vst v63  }
0xae: {  	_ =	swait.ge @!p0 [sflag:s0], $0x4000  }
0xaf: {  	[sflag:s0] =	ssyncset.done @!p0 $0x0  }
0xb0: {  	[sflag:s0] =	ssyncadd.s32 @!p0 $0xFFFFC000;
	s0 =	simm.s32 @!p0 $0x5  }
0xb1: {  	_ =	swait.ge @!p0 [sflag:s0], $0x80  }
0xb2: {  	s7 =	simm.s32 @!p0 $0x1C100;
	[sflag:s0] =	ssyncset.done @!p0 $0x0  }
0xb3: {  	s8 =	simm.s32 @!p0 $0x14000;
	[sflag:s0] =	ssyncadd.s32 @!p0 $0xFFFFFF80;
	s0 =	simm.s32 @!p0 $0x80  }
0xb4: {  	[spmem:s3] =	stream.indirect.scatter.add.f32 @!p0 [tilespmem:s8], [sflag:$0x7], $0x80, s7, s0, $0xb8;
	[tilespmem:$0x1C200] =	vst v63  }
0xb5: {  	s0 =	simm.s32 @!p0 $0x7  }
0xb6: {  	s18 =	stileid.u32;
	_ =	swait.ge @!p0 [sflag:s0], $0x4000  }
0xb7: {  	s24 =	sshrl.u32 s6, $0x3;
	s4 =	sadd.s32 $0x1, s4;
	[sflag:s0] =	ssyncset.done @!p0 $0x0  }
0xb8: {  	p1 =	sne.s32 s4, s17;
	[sflag:s0] =	ssyncadd.s32 @!p0 $0xFFFFC000;
	s0 =	sshll.u32 s18, $0x6  }
.Ltmp2:
0xb9: {  	[bflag:$0x0] =	sbarrier.arrive $0xFFFF;
	s0 =	sor.u32 $0x1C07, s0;
	(pc) =	sbr.rel @p1 .LBB2_1-.Ltmp2, $4  }
0xba: {  	[hbm:s16], [sflag:s0] =	dma.local [spmem:s24], $0x2800  }
0xbb: {  	_ =	swait.ge [sflag:s31], $0x2800  }
0xbc: {  	[sflag:s31] =	ssyncset.done $0x0  }
0xbd: {  	[sflag:s31] =	ssyncadd.s32 $0xFFFFD800  }
0xbe: {  	_ =	sfence.sel $0x180000  }
0xbf: {  	[bflag:$0x0] =	sbarrier.arrive $0xFFFF  }
0xc0: {  	_ =	strace $0x9000004A  }
0xc1: {  	s0 =	stileid.u32;
	[bflag:$0x2] =	sbarrier.arrive $0xFFFF  }
0xc2: {  	p0 =	sne.s32 s0, $0x0;
	s0 =	rddreg [dreg:$0x3]  }
0xc3: {  	s0 =	sadd.s32 @!p0 $0x100000, s0  }
0xc4: {  	[sflag:s0] =	ssyncadd.tile.s32 @!p0 $0x1;
	_ =	shalt  }
.Lfunc_end2:
_tile_overlayer_lowered:
.L_overlay_start_2:
0xc5: {  	(tag) =	ssettag $0x2  }
0xc6: {  	s0 =	rddreg [dreg:$0x0];
	s2 =	stileid.u32  }
0xc7: {  	s1 =	rddreg [dreg:$0x1];
	p0 =	sne.s32 s2, $0x0  }
0xc8: {  	s3 =	rddreg [dreg:$0x2];
	[bflag:$0x3] =	sbarrier.arrive $0xFFFF;
	s2 =	simm.s32 @!p0 $0x1C07  }
0xc9: {  	[timem:s3], [sflag:s2] =	dma.local @!p0 [hbm:s0], s1  }
0xca: {  	s0 =	simm.s32 @!p0 $0x7  }
0xcb: {  	_ =	swait.ge @!p0 [sflag:s0], s1  }
0xcc: {  	s1 =	ssub.s32 @!p0 $0x0, s1;
	[sflag:s0] =	ssyncset.done @!p0 $0x0  }
0xcd: {  	[sflag:s0] =	ssyncadd.s32 @!p0 s1  }
0xce: {  	[bflag:$0x3] =	sbarrier.arrive $0xFFFF  }
0xcf: {  	_ =	shalt  }

</sc_bundles>
